<compile_context>
chip_gen: v7x
topology: tpu7x:2x2x1
jax: 0.10.2.dev20260603
libtpu: 0.0.44.dev20260713+nightly
codegen_flags: <defaults>
</compile_context>

<pallas_src>
import functools

import jax
import jax.numpy as jnp
from jax import lax
from jax.experimental import pallas as pl
from jax.experimental.pallas import tpu as pltpu
from jax.experimental.pallas import tpu_sc as plsc

ROW_TILE = 64
NBUF = 4
PCH = 256


def _sc_gather_rows(table, idx):
    T, D = table.shape
    B = idx.shape[0]
    info = plsc.get_sparse_core_info()
    nw = info.num_cores * info.num_subcores
    b_per_w = B // nw
    mesh = plsc.VectorSubcoreMesh(core_axis_name="c", subcore_axis_name="s")

    @functools.partial(
        pl.kernel, mesh=mesh,
        out_type=jax.ShapeDtypeStruct((B, D), jnp.float32),
        scratch_types=[
            pltpu.VMEM((b_per_w,), jnp.int32),
            pltpu.VMEM((b_per_w, D), jnp.float32),
            pltpu.SemaphoreType.DMA,
        ],
    )
    def k(table_hbm, idx_hbm, out_hbm, idx_v, rows_v, sem):
        wid = lax.axis_index("s") * info.num_cores + lax.axis_index("c")
        base = wid * b_per_w
        pltpu.sync_copy(idx_hbm.at[pl.ds(base, b_per_w)], idx_v)
        pltpu.async_copy(table_hbm.at[idx_v], rows_v, sem).wait()
        pltpu.sync_copy(rows_v, out_hbm.at[pl.ds(base, b_per_w)])

    return k(table, idx)


def _moe_body(scale_ref, rs_ref, rl_ref, x_hbm, g_hbm, l_hbm,
              out_ref, pos_ref,
              xbuf, xs, segv, gbuf, lbuf, seg_smem,
              xsem, ssem, gsem, lsem):
    E = g_hbm.shape[0]
    T, D = xbuf.shape

    def start_fetch(e, slot):
        pltpu.make_async_copy(g_hbm.at[e], gbuf.at[slot],
                              gsem.at[slot]).start()
        pltpu.make_async_copy(l_hbm.at[e], lbuf.at[slot],
                              lsem.at[slot]).start()

    pltpu.make_async_copy(x_hbm, xbuf, xsem).start()
    for b in range(NBUF):
        start_fetch(b, b)
    pltpu.make_async_copy(x_hbm, xbuf, xsem).wait()

    x = xbuf[...]
    var = jnp.mean(x * x, axis=1, keepdims=True)
    xn = x * lax.rsqrt(var + 1e-6)
    xn = xn * lax.rsqrt(jnp.float32(D)) * rs_ref[...]
    logits = jnp.dot(xn, rl_ref[...], preferred_element_type=jnp.float32)
    expert = jnp.argmax(logits, axis=1).astype(jnp.int32)

    onehot = (expert[:, None] == lax.broadcasted_iota(jnp.int32, (T, E), 1))
    onehot = onehot.astype(jnp.float32)

    counts = jnp.sum(onehot, axis=0, keepdims=True)
    tri = (lax.broadcasted_iota(jnp.int32, (E, E), 0)
           < lax.broadcasted_iota(jnp.int32, (E, E), 1)).astype(jnp.float32)
    offs = jnp.dot(counts, tri, preferred_element_type=jnp.float32)
    ends = offs + counts

    s = onehot
    k = 1
    while k < T:
        s = s + jnp.concatenate(
            [jnp.zeros((k, E), jnp.float32), s[: T - k, :]], axis=0)
        k *= 2
    rank = jnp.sum(s * onehot, axis=1) - 1.0
    seg_base = jnp.sum(onehot * offs, axis=1)
    pos = rank + seg_base
    pos_i = pos.astype(jnp.int32)
    pos_ref[...] = pos_i

    si = offs.astype(jnp.int32)
    di = ends.astype(jnp.int32)
    nonempty = di > si
    t0 = si // ROW_TILE
    nt = jnp.where(nonempty, (di - 1) // ROW_TILE - t0 + 1, 0)
    segv[...] = jnp.concatenate([si, di, t0, nt], axis=0)
    pltpu.make_async_copy(segv, seg_smem, ssem).start()

    xb = x.astype(jnp.bfloat16)
    pos_col = pos_i[:, None]
    for j in range(T // PCH):
        sel = (pos_col == (j * PCH
                           + lax.broadcasted_iota(jnp.int32, (1, PCH), 1)))
        selb = sel.astype(jnp.bfloat16)
        xs[pl.ds(j * PCH, PCH), :] = lax.dot_general(
            selb, xb, (((0,), (0,)), ((), ())),
            preferred_element_type=jnp.float32)

    pltpu.make_async_copy(segv, seg_smem, ssem).wait()

    def expert_body(e, carry):
        slot = lax.rem(e, NBUF)
        pltpu.make_async_copy(g_hbm.at[e], gbuf.at[slot],
                              gsem.at[slot]).wait()
        pltpu.make_async_copy(l_hbm.at[e], lbuf.at[slot],
                              lsem.at[slot]).wait()
        start = seg_smem[0, e]
        end = seg_smem[1, e]
        tile0 = seg_smem[2, e]
        ntiles = seg_smem[3, e]
        sc = scale_ref[e]
        w0 = gbuf[slot, 0]
        w1 = gbuf[slot, 1]
        w2 = lbuf[slot]

        def tile_body(t, c):
            r0 = (tile0 + t) * ROW_TILE
            rows = xs[pl.ds(r0, ROW_TILE), :]
            dn = (((1,), (1,)), ((), ()))
            g0 = lax.dot_general(rows, w0, dn,
                                 preferred_element_type=jnp.float32)
            g1 = lax.dot_general(rows, w1, dn,
                                 preferred_element_type=jnp.float32)
            act = jax.nn.gelu(g0) * g1
            o = jnp.dot(act, w2, preferred_element_type=jnp.float32)
            ridx = r0 + lax.broadcasted_iota(jnp.int32, (ROW_TILE, 1), 0)
            m = (ridx >= start) & (ridx < end)
            out_ref[pl.ds(r0, ROW_TILE), :] = jnp.where(
                m, o * sc, out_ref[pl.ds(r0, ROW_TILE), :])
            return c

        lax.fori_loop(0, ntiles, tile_body, 0)

        @pl.when(e + NBUF < E)
        def _():
            start_fetch(e + NBUF, slot)

        return carry

    lax.fori_loop(0, E, expert_body, 0)


def _moe(x2d, router_scale, router_logits, gating, linear, scale):
    T, D = x2d.shape
    E, _, H, _ = gating.shape
    return pl.pallas_call(
        _moe_body,
        in_specs=[
            pl.BlockSpec(memory_space=pltpu.SMEM),
            pl.BlockSpec(memory_space=pltpu.VMEM),
            pl.BlockSpec(memory_space=pltpu.VMEM),
            pl.BlockSpec(memory_space=pl.ANY),
            pl.BlockSpec(memory_space=pl.ANY),
            pl.BlockSpec(memory_space=pl.ANY),
        ],
        out_specs=(
            pl.BlockSpec(memory_space=pltpu.VMEM),
            pl.BlockSpec(memory_space=pltpu.VMEM),
        ),
        out_shape=(
            jax.ShapeDtypeStruct((T, D), jnp.float32),
            jax.ShapeDtypeStruct((T,), jnp.int32),
        ),
        scratch_shapes=[
            pltpu.VMEM((T, D), jnp.float32),
            pltpu.VMEM((T, D), jnp.float32),
            pltpu.VMEM((4, E), jnp.int32),
            pltpu.VMEM((NBUF, 2, H, D), jnp.float32),
            pltpu.VMEM((NBUF, H, D), jnp.float32),
            pltpu.SMEM((4, E), jnp.int32),
            pltpu.SemaphoreType.DMA,
            pltpu.SemaphoreType.DMA,
            pltpu.SemaphoreType.DMA((NBUF,)),
            pltpu.SemaphoreType.DMA((NBUF,)),
        ],
    )(scale, router_scale, router_logits, x2d, gating, linear)


def kernel(x, router_scale, router_logits, gating_einsum, linear,
           per_expert_scale):
    B, L, D = x.shape
    x2d = x.reshape(B * L, D)
    out_sorted, pos = _moe(x2d, router_scale, router_logits,
                           gating_einsum, linear, per_expert_scale)
    out = _sc_gather_rows(out_sorted, pos)
    return out.reshape(B, L, D)

# --- scband reference (transcript-rebuilt; emitter-appended) ---
"""Pipeline reference for scband-mo-e-7206955123114 (READ-ONLY COPY).

The authoritative reference and input builder live on the scoring server;
editing this copy changes nothing except your own understanding.
"""

import jax, jax.numpy as jnp
import numpy as np

FEATURES = 768
HIDDEN = 64
NUM_EXPERTS = 64
TOP_K = 1


def setup_inputs(seed: int = 0) -> dict:
    key = jax.random.key(seed)
    ks = jax.random.split(key, 4)
    x = jax.random.normal(ks[0], (1, 2048, FEATURES), dtype=jnp.float32)
    router_scale = jnp.ones((FEATURES,), dtype=jnp.float32)
    router_logits = jax.random.normal(ks[1], (FEATURES, NUM_EXPERTS), dtype=jnp.float32) * 0.02
    gating_einsum = jax.random.normal(ks[2], (NUM_EXPERTS, 2, HIDDEN, FEATURES), dtype=jnp.float32) * 0.02
    linear = jax.random.normal(ks[3], (NUM_EXPERTS, HIDDEN, FEATURES), dtype=jnp.float32) * 0.02
    per_expert_scale = jnp.ones((NUM_EXPERTS,), dtype=jnp.float32)
    return {"x": x, "router_scale": router_scale, "router_logits": router_logits,
            "gating_einsum": gating_einsum, "linear": linear,
            "per_expert_scale": per_expert_scale}


def _rms_norm_no_scale(x):
    x32 = x.astype(jnp.float32)
    variance = jnp.mean(jnp.square(x32), axis=-1, keepdims=True)
    return x32 * jax.lax.rsqrt(variance + 1e-06)


def reference(x, router_scale, router_logits, gating_einsum, linear, per_expert_scale):
    B, L, D = x.shape
    router_input = _rms_norm_no_scale(x)
    root_size = jax.lax.rsqrt(jnp.array(D, dtype=router_input.dtype))
    router_input = router_input * root_size * router_scale.astype(router_input.dtype)
    logits = jnp.dot(router_input, router_logits)
    logits_f32 = logits.astype(jnp.float32)
    probs = jax.nn.softmax(logits_f32, axis=-1)
    top_k_logits, top_k_indices = jax.lax.top_k(logits_f32, TOP_K)
    indicator = jax.nn.one_hot(top_k_indices, NUM_EXPERTS, dtype=probs.dtype)
    gate_weights = indicator.sum(axis=-2) * probs
    renorm = jnp.sum(gate_weights, axis=-1, keepdims=True)
    renorm = jnp.where(renorm > 0.0, renorm, 1.0)
    weights = probs / renorm
    top_k_weights = jnp.take_along_axis(weights, top_k_indices, axis=-1)
    output = jnp.zeros_like(x)
    for ki in range(TOP_K):
        expert_idx = top_k_indices[:, :, ki]
        expert_w = top_k_weights[:, :, ki]
        gate_params = gating_einsum[expert_idx]
        lin_params = linear[expert_idx]
        escale = per_expert_scale[expert_idx]
        gate_0 = jnp.einsum('bld,blhd->blh', x, gate_params[:, :, 0, :, :])
        gate_1 = jnp.einsum('bld,blhd->blh', x, gate_params[:, :, 1, :, :])
        activated = jax.nn.gelu(gate_0) * gate_1
        expert_out = jnp.einsum('blh,blhd->bld', activated, lin_params)
        expert_out = expert_out * escale[..., jnp.newaxis]
        expert_out = expert_out * expert_w[..., jnp.newaxis]
        output = output + expert_out
    return output

if __name__ == "__main__":
    import jax
    _d = setup_inputs()
    print(jax.jit(kernel)(*tuple(_d.values())))

</pallas_src>

<mosaic_0001>
#map = affine_map<(d0, d1) -> (0, 0)>
#map1 = affine_map<(d0, d1) -> (0)>
module attributes {stable_mosaic.version = 14 : i64} {
  func.func @k(%arg0: i32, %arg1: i32, %arg2: memref<2048x768xf32, #tpu.memory_space<hbm>>, %arg3: memref<2048xi32, #tpu.memory_space<hbm>>, %arg4: memref<2048x768xf32, #tpu.memory_space<hbm>>, %arg5: memref<64xi32, #tpu.memory_space<vmem>>, %arg6: memref<64x768xf32, #tpu.memory_space<vmem>>, %arg7: memref<!tpu.dma_semaphore, #tpu.memory_space<semaphore_mem>>) attributes {dimension_semantics = [#tpu.dimension_semantics<core_parallel>, #tpu.dimension_semantics<subcore_parallel>], iteration_bounds = array<i64: 2, 16>, scalar_prefetch = 0 : i64, scratch_operands = 3 : i64, tpu.core_type = #tpu.core_type<sc_vector_subcore>, window_params = [{transform_indices = #map}, {transform_indices = #map1}, {transform_indices = #map}]} {
    %mul3A = arith.constant 2 : i32
    %mul3A_0 = arith.muli %arg1, %mul3A : i32
    %add3A = arith.addi %mul3A_0, %arg0 : i32
    %mul3A_1 = arith.constant 64 : i32
    %mul3A_2 = arith.muli %add3A, %mul3A_1 : i32
    "tpu.region"() ({
      %run_scoped3A = tpu.sem_alloc : memref<!tpu.dma_semaphore, #tpu.memory_space<semaphore_mem>>
      %dma_start3A_7 = tpu.memref_slice %arg3[%mul3A_2] : memref<2048xi32, #tpu.memory_space<hbm>> -> memref<64xi32, #tpu.memory_space<hbm>>
      %dma_start3A_8 = tpu.memref_slice %arg3[%mul3A_2] : memref<2048xi32, #tpu.memory_space<hbm>> -> memref<64xi32, #tpu.memory_space<hbm>>
      tpu.enqueue_dma source(%dma_start3A_8 : memref<64xi32, #tpu.memory_space<hbm>>) target(%arg5 : memref<64xi32, #tpu.memory_space<vmem>>) target_semaphore(%run_scoped3A : memref<!tpu.dma_semaphore, #tpu.memory_space<semaphore_mem>>)
      %dma_wait3A_9 = tpu.memref_slice %arg3[%mul3A_2] : memref<2048xi32, #tpu.memory_space<hbm>> -> memref<64xi32, #tpu.memory_space<hbm>>
      %dma_wait3A_10 = tpu.memref_slice %arg3[%mul3A_2] : memref<2048xi32, #tpu.memory_space<hbm>> -> memref<64xi32, #tpu.memory_space<hbm>>
      tpu.wait_dma2 semaphore(%run_scoped3A : memref<!tpu.dma_semaphore, #tpu.memory_space<semaphore_mem>>) src(%dma_wait3A_10 : memref<64xi32, #tpu.memory_space<hbm>>) dst(%arg5 : memref<64xi32, #tpu.memory_space<vmem>>)
      tpu.yield
    }) : () -> ()
    %dma_start3A = arith.constant 0 : i32
    %dma_start3A_3 = arith.constant 0 : i32
    %dma_start3A_4 = tpu.memref_slice %arg2[%dma_start3A, %dma_start3A_3] : memref<2048x768xf32, #tpu.memory_space<hbm>> -> memref<2048x768xf32, #tpu.memory_space<hbm>>
    tpu.enqueue_indirect_dma source(%dma_start3A_4 : memref<2048x768xf32, #tpu.memory_space<hbm>>) target(%arg6 : memref<64x768xf32, #tpu.memory_space<vmem>>) offsets(%arg5 : memref<64xi32, #tpu.memory_space<vmem>>) semaphore(%arg7 : memref<!tpu.dma_semaphore, #tpu.memory_space<semaphore_mem>>)
    %dma_wait3A = arith.constant 0 : i32
    %dma_wait3A_5 = arith.constant 0 : i32
    %dma_wait3A_6 = tpu.memref_slice %arg2[%dma_wait3A, %dma_wait3A_5] : memref<2048x768xf32, #tpu.memory_space<hbm>> -> memref<2048x768xf32, #tpu.memory_space<hbm>>
    tpu.wait_indirect_dma semaphore(%arg7 : memref<!tpu.dma_semaphore, #tpu.memory_space<semaphore_mem>>) src(%dma_wait3A_6 : memref<2048x768xf32, #tpu.memory_space<hbm>>) dst(%arg6 : memref<64x768xf32, #tpu.memory_space<vmem>>)
    "tpu.region"() ({
      %run_scoped3A = tpu.sem_alloc : memref<!tpu.dma_semaphore, #tpu.memory_space<semaphore_mem>>
      %dma_start3A_7 = arith.constant 0 : i32
      %dma_start3A_8 = tpu.memref_slice %arg4[%mul3A_2, %dma_start3A_7] : memref<2048x768xf32, #tpu.memory_space<hbm>> -> memref<64x768xf32, #tpu.memory_space<hbm>>
      %dma_start3A_9 = arith.constant 0 : i32
      %dma_start3A_10 = tpu.memref_slice %arg4[%mul3A_2, %dma_start3A_9] : memref<2048x768xf32, #tpu.memory_space<hbm>> -> memref<64x768xf32, #tpu.memory_space<hbm>>
      tpu.enqueue_dma source(%arg6 : memref<64x768xf32, #tpu.memory_space<vmem>>) target(%dma_start3A_10 : memref<64x768xf32, #tpu.memory_space<hbm>>) target_semaphore(%run_scoped3A : memref<!tpu.dma_semaphore, #tpu.memory_space<semaphore_mem>>)
      %dma_wait3A_11 = arith.constant 0 : i32
      %dma_wait3A_12 = tpu.memref_slice %arg4[%mul3A_2, %dma_wait3A_11] : memref<2048x768xf32, #tpu.memory_space<hbm>> -> memref<64x768xf32, #tpu.memory_space<hbm>>
      %dma_wait3A_13 = arith.constant 0 : i32
      %dma_wait3A_14 = tpu.memref_slice %arg4[%mul3A_2, %dma_wait3A_13] : memref<2048x768xf32, #tpu.memory_space<hbm>> -> memref<64x768xf32, #tpu.memory_space<hbm>>
      tpu.wait_dma2 semaphore(%run_scoped3A : memref<!tpu.dma_semaphore, #tpu.memory_space<semaphore_mem>>) src(%arg6 : memref<64x768xf32, #tpu.memory_space<vmem>>) dst(%dma_wait3A_14 : memref<64x768xf32, #tpu.memory_space<hbm>>)
      tpu.yield
    }) : () -> ()
    return
  }
}

module attributes {stable_mosaic.version = 14 : i64} {
  func.func @_moe_body(%arg0: memref<64xf32, #tpu.memory_space<smem>>, %arg1: memref<768xf32, #tpu.memory_space<vmem>>, %arg2: memref<768x64xf32, #tpu.memory_space<vmem>>, %arg3: memref<2048x768xf32, #tpu.memory_space<any>>, %arg4: memref<64x2x64x768xf32, #tpu.memory_space<any>>, %arg5: memref<64x64x768xf32, #tpu.memory_space<any>>, %arg6: memref<2048x768xf32, #tpu.memory_space<vmem>>, %arg7: memref<2048xi32, #tpu.memory_space<vmem>>, %arg8: memref<2048x768xf32, #tpu.memory_space<vmem>>, %arg9: memref<2048x768xf32, #tpu.memory_space<vmem>>, %arg10: memref<4x64xi32, #tpu.memory_space<vmem>>, %arg11: memref<4x2x64x768xf32, #tpu.memory_space<vmem>>, %arg12: memref<4x64x768xf32, #tpu.memory_space<vmem>>, %arg13: memref<4x64xi32, #tpu.memory_space<smem>>, %arg14: memref<!tpu.dma_semaphore, #tpu.memory_space<semaphore_mem>>, %arg15: memref<!tpu.dma_semaphore, #tpu.memory_space<semaphore_mem>>, %arg16: memref<4x!tpu.dma_semaphore, #tpu.memory_space<semaphore_mem>>, %arg17: memref<4x!tpu.dma_semaphore, #tpu.memory_space<semaphore_mem>>) attributes {dimension_semantics = [], scalar_prefetch = 0 : i64, scratch_operands = 10 : i64, tpu.core_type = #tpu.core_type<tc>} {
    tpu.enqueue_dma source(%arg3 : memref<2048x768xf32, #tpu.memory_space<any>>) target(%arg8 : memref<2048x768xf32, #tpu.memory_space<vmem>>) target_semaphore(%arg14 : memref<!tpu.dma_semaphore, #tpu.memory_space<semaphore_mem>>)
    %dma_start3A = arith.constant 0 : i32
    %dma_start3A_0 = arith.constant 0 : i32
    %dma_start3A_1 = arith.constant 0 : i32
    %dma_start3A_2 = tpu.memref_slice %arg16[%dma_start3A_1] : memref<4x!tpu.dma_semaphore, #tpu.memory_space<semaphore_mem>> -> memref<1x!tpu.dma_semaphore, #tpu.memory_space<semaphore_mem>>
    %dma_start3A_3 = tpu.memref_squeeze %dma_start3A_2 : memref<1x!tpu.dma_semaphore, #tpu.memory_space<semaphore_mem>> -> memref<!tpu.dma_semaphore, #tpu.memory_space<semaphore_mem>>
    %dma_start3A_4 = arith.constant 0 : i32
    %dma_start3A_5 = arith.constant 0 : i32
    %dma_start3A_6 = arith.constant 0 : i32
    %dma_start3A_7 = tpu.memref_slice %arg11[%dma_start3A_0, %dma_start3A_4, %dma_start3A_5, %dma_start3A_6] : memref<4x2x64x768xf32, #tpu.memory_space<vmem>> -> memref<1x2x64x768xf32, #tpu.memory_space<vmem>>
    %dma_start3A_8 = tpu.memref_squeeze %dma_start3A_7 : memref<1x2x64x768xf32, #tpu.memory_space<vmem>> -> memref<2x64x768xf32, #tpu.memory_space<vmem>>
    %dma_start3A_9 = arith.constant 0 : i32
    %dma_start3A_10 = arith.constant 0 : i32
    %dma_start3A_11 = arith.constant 0 : i32
    %dma_start3A_12 = tpu.memref_slice %arg4[%dma_start3A, %dma_start3A_9, %dma_start3A_10, %dma_start3A_11] : memref<64x2x64x768xf32, #tpu.memory_space<any>> -> memref<1x2x64x768xf32, #tpu.memory_space<any>>
    %dma_start3A_13 = tpu.memref_squeeze %dma_start3A_12 : memref<1x2x64x768xf32, #tpu.memory_space<any>> -> memref<2x64x768xf32, #tpu.memory_space<any>>
    tpu.enqueue_dma source(%dma_start3A_13 : memref<2x64x768xf32, #tpu.memory_space<any>>) target(%dma_start3A_8 : memref<2x64x768xf32, #tpu.memory_space<vmem>>) target_semaphore(%dma_start3A_3 : memref<!tpu.dma_semaphore, #tpu.memory_space<semaphore_mem>>)
    %dma_start3A_14 = arith.constant 0 : i32
    %dma_start3A_15 = arith.constant 0 : i32
    %dma_start3A_16 = arith.constant 0 : i32
    %dma_start3A_17 = tpu.memref_slice %arg17[%dma_start3A_16] : memref<4x!tpu.dma_semaphore, #tpu.memory_space<semaphore_mem>> -> memref<1x!tpu.dma_semaphore, #tpu.memory_space<semaphore_mem>>
    %dma_start3A_18 = tpu.memref_squeeze %dma_start3A_17 : memref<1x!tpu.dma_semaphore, #tpu.memory_space<semaphore_mem>> -> memref<!tpu.dma_semaphore, #tpu.memory_space<semaphore_mem>>
    %dma_start3A_19 = arith.constant 0 : i32
    %dma_start3A_20 = arith.constant 0 : i32
    %dma_start3A_21 = tpu.memref_slice %arg12[%dma_start3A_15, %dma_start3A_19, %dma_start3A_20] : memref<4x64x768xf32, #tpu.memory_space<vmem>> -> memref<1x64x768xf32, #tpu.memory_space<vmem>>
    %dma_start3A_22 = tpu.memref_squeeze %dma_start3A_21 : memref<1x64x768xf32, #tpu.memory_space<vmem>> -> memref<64x768xf32, #tpu.memory_space<vmem>>
    %dma_start3A_23 = arith.constant 0 : i32
    %dma_start3A_24 = arith.constant 0 : i32
    %dma_start3A_25 = tpu.memref_slice %arg5[%dma_start3A_14, %dma_start3A_23, %dma_start3A_24] : memref<64x64x768xf32, #tpu.memory_space<any>> -> memref<1x64x768xf32, #tpu.memory_space<any>>
    %dma_start3A_26 = tpu.memref_squeeze %dma_start3A_25 : memref<1x64x768xf32, #tpu.memory_space<any>> -> memref<64x768xf32, #tpu.memory_space<any>>
    tpu.enqueue_dma source(%dma_start3A_26 : memref<64x768xf32, #tpu.memory_space<any>>) target(%dma_start3A_22 : memref<64x768xf32, #tpu.memory_space<vmem>>) target_semaphore(%dma_start3A_18 : memref<!tpu.dma_semaphore, #tpu.memory_space<semaphore_mem>>)
    %dma_start3A_27 = arith.constant 1 : i32
    %dma_start3A_28 = arith.constant 1 : i32
    %dma_start3A_29 = arith.constant 1 : i32
    %dma_start3A_30 = tpu.memref_slice %arg16[%dma_start3A_29] : memref<4x!tpu.dma_semaphore, #tpu.memory_space<semaphore_mem>> -> memref<1x!tpu.dma_semaphore, #tpu.memory_space<semaphore_mem>>
    %dma_start3A_31 = tpu.memref_squeeze %dma_start3A_30 : memref<1x!tpu.dma_semaphore, #tpu.memory_space<semaphore_mem>> -> memref<!tpu.dma_semaphore, #tpu.memory_space<semaphore_mem>>
    %dma_start3A_32 = arith.constant 0 : i32
    %dma_start3A_33 = arith.constant 0 : i32
    %dma_start3A_34 = arith.constant 0 : i32
    %dma_start3A_35 = tpu.memref_slice %arg11[%dma_start3A_28, %dma_start3A_32, %dma_start3A_33, %dma_start3A_34] : memref<4x2x64x768xf32, #tpu.memory_space<vmem>> -> memref<1x2x64x768xf32, #tpu.memory_space<vmem>>
    %dma_start3A_36 = tpu.memref_squeeze %dma_start3A_35 : memref<1x2x64x768xf32, #tpu.memory_space<vmem>> -> memref<2x64x768xf32, #tpu.memory_space<vmem>>
    %dma_start3A_37 = arith.constant 0 : i32
    %dma_start3A_38 = arith.constant 0 : i32
    %dma_start3A_39 = arith.constant 0 : i32
    %dma_start3A_40 = tpu.memref_slice %arg4[%dma_start3A_27, %dma_start3A_37, %dma_start3A_38, %dma_start3A_39] : memref<64x2x64x768xf32, #tpu.memory_space<any>> -> memref<1x2x64x768xf32, #tpu.memory_space<any>>
    %dma_start3A_41 = tpu.memref_squeeze %dma_start3A_40 : memref<1x2x64x768xf32, #tpu.memory_space<any>> -> memref<2x64x768xf32, #tpu.memory_space<any>>
    tpu.enqueue_dma source(%dma_start3A_41 : memref<2x64x768xf32, #tpu.memory_space<any>>) target(%dma_start3A_36 : memref<2x64x768xf32, #tpu.memory_space<vmem>>) target_semaphore(%dma_start3A_31 : memref<!tpu.dma_semaphore, #tpu.memory_space<semaphore_mem>>)
    %dma_start3A_42 = arith.constant 1 : i32
    %dma_start3A_43 = arith.constant 1 : i32
    %dma_start3A_44 = arith.constant 1 : i32
    %dma_start3A_45 = tpu.memref_slice %arg17[%dma_start3A_44] : memref<4x!tpu.dma_semaphore, #tpu.memory_space<semaphore_mem>> -> memref<1x!tpu.dma_semaphore, #tpu.memory_space<semaphore_mem>>
    %dma_start3A_46 = tpu.memref_squeeze %dma_start3A_45 : memref<1x!tpu.dma_semaphore, #tpu.memory_space<semaphore_mem>> -> memref<!tpu.dma_semaphore, #tpu.memory_space<semaphore_mem>>
    %dma_start3A_47 = arith.constant 0 : i32
    %dma_start3A_48 = arith.constant 0 : i32
    %dma_start3A_49 = tpu.memref_slice %arg12[%dma_start3A_43, %dma_start3A_47, %dma_start3A_48] : memref<4x64x768xf32, #tpu.memory_space<vmem>> -> memref<1x64x768xf32, #tpu.memory_space<vmem>>
    %dma_start3A_50 = tpu.memref_squeeze %dma_start3A_49 : memref<1x64x768xf32, #tpu.memory_space<vmem>> -> memref<64x768xf32, #tpu.memory_space<vmem>>
    %dma_start3A_51 = arith.constant 0 : i32
    %dma_start3A_52 = arith.constant 0 : i32
    %dma_start3A_53 = tpu.memref_slice %arg5[%dma_start3A_42, %dma_start3A_51, %dma_start3A_52] : memref<64x64x768xf32, #tpu.memory_space<any>> -> memref<1x64x768xf32, #tpu.memory_space<any>>
    %dma_start3A_54 = tpu.memref_squeeze %dma_start3A_53 : memref<1x64x768xf32, #tpu.memory_space<any>> -> memref<64x768xf32, #tpu.memory_space<any>>
    tpu.enqueue_dma source(%dma_start3A_54 : memref<64x768xf32, #tpu.memory_space<any>>) target(%dma_start3A_50 : memref<64x768xf32, #tpu.memory_space<vmem>>) target_semaphore(%dma_start3A_46 : memref<!tpu.dma_semaphore, #tpu.memory_space<semaphore_mem>>)
    %dma_start3A_55 = arith.constant 2 : i32
    %dma_start3A_56 = arith.constant 2 : i32
    %dma_start3A_57 = arith.constant 2 : i32
    %dma_start3A_58 = tpu.memref_slice %arg16[%dma_start3A_57] : memref<4x!tpu.dma_semaphore, #tpu.memory_space<semaphore_mem>> -> memref<1x!tpu.dma_semaphore, #tpu.memory_space<semaphore_mem>>
    %dma_start3A_59 = tpu.memref_squeeze %dma_start3A_58 : memref<1x!tpu.dma_semaphore, #tpu.memory_space<semaphore_mem>> -> memref<!tpu.dma_semaphore, #tpu.memory_space<semaphore_mem>>
    %dma_start3A_60 = arith.constant 0 : i32
    %dma_start3A_61 = arith.constant 0 : i32
    %dma_start3A_62 = arith.constant 0 : i32
    %dma_start3A_63 = tpu.memref_slice %arg11[%dma_start3A_56, %dma_start3A_60, %dma_start3A_61, %dma_start3A_62] : memref<4x2x64x768xf32, #tpu.memory_space<vmem>> -> memref<1x2x64x768xf32, #tpu.memory_space<vmem>>
    %dma_start3A_64 = tpu.memref_squeeze %dma_start3A_63 : memref<1x2x64x768xf32, #tpu.memory_space<vmem>> -> memref<2x64x768xf32, #tpu.memory_space<vmem>>
    %dma_start3A_65 = arith.constant 0 : i32
    %dma_start3A_66 = arith.constant 0 : i32
    %dma_start3A_67 = arith.constant 0 : i32
    %dma_start3A_68 = tpu.memref_slice %arg4[%dma_start3A_55, %dma_start3A_65, %dma_start3A_66, %dma_start3A_67] : memref<64x2x64x768xf32, #tpu.memory_space<any>> -> memref<1x2x64x768xf32, #tpu.memory_space<any>>
    %dma_start3A_69 = tpu.memref_squeeze %dma_start3A_68 : memref<1x2x64x768xf32, #tpu.memory_space<any>> -> memref<2x64x768xf32, #tpu.memory_space<any>>
    tpu.enqueue_dma source(%dma_start3A_69 : memref<2x64x768xf32, #tpu.memory_space<any>>) target(%dma_start3A_64 : memref<2x64x768xf32, #tpu.memory_space<vmem>>) target_semaphore(%dma_start3A_59 : memref<!tpu.dma_semaphore, #tpu.memory_space<semaphore_mem>>)
    %dma_start3A_70 = arith.constant 2 : i32
    %dma_start3A_71 = arith.constant 2 : i32
    %dma_start3A_72 = arith.constant 2 : i32
    %dma_start3A_73 = tpu.memref_slice %arg17[%dma_start3A_72] : memref<4x!tpu.dma_semaphore, #tpu.memory_space<semaphore_mem>> -> memref<1x!tpu.dma_semaphore, #tpu.memory_space<semaphore_mem>>
    %dma_start3A_74 = tpu.memref_squeeze %dma_start3A_73 : memref<1x!tpu.dma_semaphore, #tpu.memory_space<semaphore_mem>> -> memref<!tpu.dma_semaphore, #tpu.memory_space<semaphore_mem>>
    %dma_start3A_75 = arith.constant 0 : i32
    %dma_start3A_76 = arith.constant 0 : i32
    %dma_start3A_77 = tpu.memref_slice %arg12[%dma_start3A_71, %dma_start3A_75, %dma_start3A_76] : memref<4x64x768xf32, #tpu.memory_space<vmem>> -> memref<1x64x768xf32, #tpu.memory_space<vmem>>
    %dma_start3A_78 = tpu.memref_squeeze %dma_start3A_77 : memref<1x64x768xf32, #tpu.memory_space<vmem>> -> memref<64x768xf32, #tpu.memory_space<vmem>>
    %dma_start3A_79 = arith.constant 0 : i32
    %dma_start3A_80 = arith.constant 0 : i32
    %dma_start3A_81 = tpu.memref_slice %arg5[%dma_start3A_70, %dma_start3A_79, %dma_start3A_80] : memref<64x64x768xf32, #tpu.memory_space<any>> -> memref<1x64x768xf32, #tpu.memory_space<any>>
    %dma_start3A_82 = tpu.memref_squeeze %dma_start3A_81 : memref<1x64x768xf32, #tpu.memory_space<any>> -> memref<64x768xf32, #tpu.memory_space<any>>
    tpu.enqueue_dma source(%dma_start3A_82 : memref<64x768xf32, #tpu.memory_space<any>>) target(%dma_start3A_78 : memref<64x768xf32, #tpu.memory_space<vmem>>) target_semaphore(%dma_start3A_74 : memref<!tpu.dma_semaphore, #tpu.memory_space<semaphore_mem>>)
    %dma_start3A_83 = arith.constant 3 : i32
    %dma_start3A_84 = arith.constant 3 : i32
    %dma_start3A_85 = arith.constant 3 : i32
    %dma_start3A_86 = tpu.memref_slice %arg16[%dma_start3A_85] : memref<4x!tpu.dma_semaphore, #tpu.memory_space<semaphore_mem>> -> memref<1x!tpu.dma_semaphore, #tpu.memory_space<semaphore_mem>>
    %dma_start3A_87 = tpu.memref_squeeze %dma_start3A_86 : memref<1x!tpu.dma_semaphore, #tpu.memory_space<semaphore_mem>> -> memref<!tpu.dma_semaphore, #tpu.memory_space<semaphore_mem>>
    %dma_start3A_88 = arith.constant 0 : i32
    %dma_start3A_89 = arith.constant 0 : i32
    %dma_start3A_90 = arith.constant 0 : i32
    %dma_start3A_91 = tpu.memref_slice %arg11[%dma_start3A_84, %dma_start3A_88, %dma_start3A_89, %dma_start3A_90] : memref<4x2x64x768xf32, #tpu.memory_space<vmem>> -> memref<1x2x64x768xf32, #tpu.memory_space<vmem>>
    %dma_start3A_92 = tpu.memref_squeeze %dma_start3A_91 : memref<1x2x64x768xf32, #tpu.memory_space<vmem>> -> memref<2x64x768xf32, #tpu.memory_space<vmem>>
    %dma_start3A_93 = arith.constant 0 : i32
    %dma_start3A_94 = arith.constant 0 : i32
    %dma_start3A_95 = arith.constant 0 : i32
    %dma_start3A_96 = tpu.memref_slice %arg4[%dma_start3A_83, %dma_start3A_93, %dma_start3A_94, %dma_start3A_95] : memref<64x2x64x768xf32, #tpu.memory_space<any>> -> memref<1x2x64x768xf32, #tpu.memory_space<any>>
    %dma_start3A_97 = tpu.memref_squeeze %dma_start3A_96 : memref<1x2x64x768xf32, #tpu.memory_space<any>> -> memref<2x64x768xf32, #tpu.memory_space<any>>
    tpu.enqueue_dma source(%dma_start3A_97 : memref<2x64x768xf32, #tpu.memory_space<any>>) target(%dma_start3A_92 : memref<2x64x768xf32, #tpu.memory_space<vmem>>) target_semaphore(%dma_start3A_87 : memref<!tpu.dma_semaphore, #tpu.memory_space<semaphore_mem>>)
    %dma_start3A_98 = arith.constant 3 : i32
    %dma_start3A_99 = arith.constant 3 : i32
    %dma_start3A_100 = arith.constant 3 : i32
    %dma_start3A_101 = tpu.memref_slice %arg17[%dma_start3A_100] : memref<4x!tpu.dma_semaphore, #tpu.memory_space<semaphore_mem>> -> memref<1x!tpu.dma_semaphore, #tpu.memory_space<semaphore_mem>>
    %dma_start3A_102 = tpu.memref_squeeze %dma_start3A_101 : memref<1x!tpu.dma_semaphore, #tpu.memory_space<semaphore_mem>> -> memref<!tpu.dma_semaphore, #tpu.memory_space<semaphore_mem>>
    %dma_start3A_103 = arith.constant 0 : i32
    %dma_start3A_104 = arith.constant 0 : i32
    %dma_start3A_105 = tpu.memref_slice %arg12[%dma_start3A_99, %dma_start3A_103, %dma_start3A_104] : memref<4x64x768xf32, #tpu.memory_space<vmem>> -> memref<1x64x768xf32, #tpu.memory_space<vmem>>
    %dma_start3A_106 = tpu.memref_squeeze %dma_start3A_105 : memref<1x64x768xf32, #tpu.memory_space<vmem>> -> memref<64x768xf32, #tpu.memory_space<vmem>>
    %dma_start3A_107 = arith.constant 0 : i32
    %dma_start3A_108 = arith.constant 0 : i32
    %dma_start3A_109 = tpu.memref_slice %arg5[%dma_start3A_98, %dma_start3A_107, %dma_start3A_108] : memref<64x64x768xf32, #tpu.memory_space<any>> -> memref<1x64x768xf32, #tpu.memory_space<any>>
    %dma_start3A_110 = tpu.memref_squeeze %dma_start3A_109 : memref<1x64x768xf32, #tpu.memory_space<any>> -> memref<64x768xf32, #tpu.memory_space<any>>
    tpu.enqueue_dma source(%dma_start3A_110 : memref<64x768xf32, #tpu.memory_space<any>>) target(%dma_start3A_106 : memref<64x768xf32, #tpu.memory_space<vmem>>) target_semaphore(%dma_start3A_102 : memref<!tpu.dma_semaphore, #tpu.memory_space<semaphore_mem>>)
    tpu.wait_dma2 semaphore(%arg14 : memref<!tpu.dma_semaphore, #tpu.memory_space<semaphore_mem>>) src(%arg3 : memref<2048x768xf32, #tpu.memory_space<any>>) dst(%arg8 : memref<2048x768xf32, #tpu.memory_space<vmem>>)
    %get3A = arith.constant 0 : index
    %get3A_111 = arith.constant 0 : index
    %get3A_112 = vector.load %arg8[%get3A, %get3A_111] : memref<2048x768xf32, #tpu.memory_space<vmem>>, vector<2048x768xf32>
    %mul3A = arith.mulf %get3A_112, %get3A_112 : vector<2048x768xf32>
    %reduce_sum3A = arith.constant dense<0.000000e+00> : vector<2048xf32>
    %reduce_sum3A_113 = vector.multi_reduction <add>, %mul3A, %reduce_sum3A [1] : vector<2048x768xf32> to vector<2048xf32>
    %broadcast_in_dim3A = vector.shape_cast %reduce_sum3A_113 : vector<2048xf32> to vector<2048x1xf32>
    %div3A = arith.constant 7.680000e+02 : f32
    %div3A_114 = vector.broadcast %div3A : f32 to vector<2048x1xf32>
    %div3A_115 = arith.divf %broadcast_in_dim3A, %div3A_114 : vector<2048x1xf32>
    %add3A = arith.constant 9.99999997E-7 : f32
    %add3A_116 = vector.broadcast %add3A : f32 to vector<2048x1xf32>
    %add3A_117 = arith.addf %div3A_115, %add3A_116 : vector<2048x1xf32>
    %rsqrt3A = math.rsqrt %add3A_117 : vector<2048x1xf32>
    %mul3A_118 = vector.broadcast %rsqrt3A : vector<2048x1xf32> to vector<2048x768xf32>
    %mul3A_119 = arith.mulf %get3A_112, %mul3A_118 : vector<2048x768xf32>
    %rsqrt3A_120 = arith.constant 7.680000e+02 : f32
    %rsqrt3A_121 = math.rsqrt %rsqrt3A_120 : f32
    %mul3A_122 = vector.broadcast %rsqrt3A_121 : f32 to vector<2048x768xf32>
    %mul3A_123 = arith.mulf %mul3A_119, %mul3A_122 : vector<2048x768xf32>
    %get3A_124 = arith.constant 0 : index
    %get3A_125 = vector.load %arg1[%get3A_124] : memref<768xf32, #tpu.memory_space<vmem>>, vector<768xf32>
    %broadcast_in_dim3A_126 = vector.shape_cast %get3A_125 : vector<768xf32> to vector<1x768xf32>
    %mul3A_127 = vector.broadcast %broadcast_in_dim3A_126 : vector<1x768xf32> to vector<2048x768xf32>
    %mul3A_128 = arith.mulf %mul3A_123, %mul3A_127 : vector<2048x768xf32>
    %get3A_129 = arith.constant 0 : index
    %get3A_130 = arith.constant 0 : index
    %get3A_131 = vector.load %arg2[%get3A_129, %get3A_130] : memref<768x64xf32, #tpu.memory_space<vmem>>, vector<768x64xf32>
    %dot_general3A = arith.constant dense<0.000000e+00> : vector<2048x64xf32>
    %dot_general3A_132 = tpu.matmul %mul3A_128, %get3A_131, %dot_general3A {dimension_numbers = #tpu.dot_dimension_numbers<[1], [0], [0], [1], [0, 0, 1, 1], [], []>, transpose_lhs_hint = false} : vector<2048x768xf32>, vector<768x64xf32>, vector<2048x64xf32> -> vector<2048x64xf32>
    %argmax3A = tpu.reduce_index %dot_general3A_132 {axis = 1 : i32, kind = #tpu.reduction_kind<arg_max>} : vector<2048x64xf32> -> vector<2048xi32>
    %broadcast_in_dim3A_133 = vector.shape_cast %argmax3A : vector<2048xi32> to vector<2048x1xi32>
    %iota3A = tpu.iota {dimensions = array<i32: 1>} : vector<2048x64xi32>
    %eq3A = vector.broadcast %broadcast_in_dim3A_133 : vector<2048x1xi32> to vector<2048x64xi32>
    %eq3A_134 = arith.cmpi eq, %eq3A, %iota3A : vector<2048x64xi32>
    %convert_element_type3A = arith.extui %eq3A_134 : vector<2048x64xi1> to vector<2048x64xi32>
    %convert_element_type3A_135 = arith.sitofp %convert_element_type3A : vector<2048x64xi32> to vector<2048x64xf32>
    %reduce_sum3A_136 = arith.constant dense<0.000000e+00> : vector<64xf32>
    %reduce_sum3A_137 = vector.multi_reduction <add>, %convert_element_type3A_135, %reduce_sum3A_136 [0] : vector<2048x64xf32> to vector<64xf32>
    %broadcast_in_dim3A_138 = vector.shape_cast %reduce_sum3A_137 : vector<64xf32> to vector<1x64xf32>
    %iota3A_139 = tpu.iota {dimensions = array<i32: 0>} : vector<64x64xi32>
    %iota3A_140 = tpu.iota {dimensions = array<i32: 1>} : vector<64x64xi32>
    %lt3A = arith.cmpi slt, %iota3A_139, %iota3A_140 : vector<64x64xi32>
    %convert_element_type3A_141 = arith.extui %lt3A : vector<64x64xi1> to vector<64x64xi32>
    %convert_element_type3A_142 = arith.sitofp %convert_element_type3A_141 : vector<64x64xi32> to vector<64x64xf32>
    %dot_general3A_143 = arith.constant dense<0.000000e+00> : vector<1x64xf32>
    %dot_general3A_144 = tpu.matmul %broadcast_in_dim3A_138, %convert_element_type3A_142, %dot_general3A_143 {dimension_numbers = #tpu.dot_dimension_numbers<[1], [0], [0], [1], [0, 0, 1, 1], [], []>, transpose_lhs_hint = false} : vector<1x64xf32>, vector<64x64xf32>, vector<1x64xf32> -> vector<1x64xf32>
    %add3A_145 = arith.addf %dot_general3A_144, %broadcast_in_dim3A_138 : vector<1x64xf32>
    %broadcast_in_dim3A_146 = arith.constant 0.000000e+00 : f32
    %broadcast_in_dim3A_147 = vector.broadcast %broadcast_in_dim3A_146 : f32 to vector<1x64xf32>
    %slice3A = vector.extract_strided_slice %convert_element_type3A_135 {offsets = [0, 0], sizes = [2047, 64], strides = [1, 1]} : vector<2048x64xf32> to vector<2047x64xf32>
    %concatenate3A = tpu.concatenate %broadcast_in_dim3A_147, %slice3A in 0 : vector<1x64xf32>, vector<2047x64xf32> -> vector<2048x64xf32>
    %add3A_148 = arith.addf %convert_element_type3A_135, %concatenate3A : vector<2048x64xf32>
    %broadcast_in_dim3A_149 = arith.constant 0.000000e+00 : f32
    %broadcast_in_dim3A_150 = vector.broadcast %broadcast_in_dim3A_149 : f32 to vector<2x64xf32>
    %slice3A_151 = vector.extract_strided_slice %add3A_148 {offsets = [0, 0], sizes = [2046, 64], strides = [1, 1]} : vector<2048x64xf32> to vector<2046x64xf32>
    %concatenate3A_152 = tpu.concatenate %broadcast_in_dim3A_150, %slice3A_151 in 0 : vector<2x64xf32>, vector<2046x64xf32> -> vector<2048x64xf32>
    %add3A_153 = arith.addf %add3A_148, %concatenate3A_152 : vector<2048x64xf32>
    %broadcast_in_dim3A_154 = arith.constant 0.000000e+00 : f32
    %broadcast_in_dim3A_155 = vector.broadcast %broadcast_in_dim3A_154 : f32 to vector<4x64xf32>
    %slice3A_156 = vector.extract_strided_slice %add3A_153 {offsets = [0, 0], sizes = [2044, 64], strides = [1, 1]} : vector<2048x64xf32> to vector<2044x64xf32>
    %concatenate3A_157 = tpu.concatenate %broadcast_in_dim3A_155, %slice3A_156 in 0 : vector<4x64xf32>, vector<2044x64xf32> -> vector<2048x64xf32>
    %add3A_158 = arith.addf %add3A_153, %concatenate3A_157 : vector<2048x64xf32>
    %broadcast_in_dim3A_159 = arith.constant 0.000000e+00 : f32
    %broadcast_in_dim3A_160 = vector.broadcast %broadcast_in_dim3A_159 : f32 to vector<8x64xf32>
    %slice3A_161 = vector.extract_strided_slice %add3A_158 {offsets = [0, 0], sizes = [2040, 64], strides = [1, 1]} : vector<2048x64xf32> to vector<2040x64xf32>
    %concatenate3A_162 = tpu.concatenate %broadcast_in_dim3A_160, %slice3A_161 in 0 : vector<8x64xf32>, vector<2040x64xf32> -> vector<2048x64xf32>
    %add3A_163 = arith.addf %add3A_158, %concatenate3A_162 : vector<2048x64xf32>
    %broadcast_in_dim3A_164 = arith.constant 0.000000e+00 : f32
    %broadcast_in_dim3A_165 = vector.broadcast %broadcast_in_dim3A_164 : f32 to vector<16x64xf32>
    %slice3A_166 = vector.extract_strided_slice %add3A_163 {offsets = [0, 0], sizes = [2032, 64], strides = [1, 1]} : vector<2048x64xf32> to vector<2032x64xf32>
    %concatenate3A_167 = tpu.concatenate %broadcast_in_dim3A_165, %slice3A_166 in 0 : vector<16x64xf32>, vector<2032x64xf32> -> vector<2048x64xf32>
    %add3A_168 = arith.addf %add3A_163, %concatenate3A_167 : vector<2048x64xf32>
    %broadcast_in_dim3A_169 = arith.constant 0.000000e+00 : f32
    %broadcast_in_dim3A_170 = vector.broadcast %broadcast_in_dim3A_169 : f32 to vector<32x64xf32>
    %slice3A_171 = vector.extract_strided_slice %add3A_168 {offsets = [0, 0], sizes = [2016, 64], strides = [1, 1]} : vector<2048x64xf32> to vector<2016x64xf32>
    %concatenate3A_172 = tpu.concatenate %broadcast_in_dim3A_170, %slice3A_171 in 0 : vector<32x64xf32>, vector<2016x64xf32> -> vector<2048x64xf32>
    %add3A_173 = arith.addf %add3A_168, %concatenate3A_172 : vector<2048x64xf32>
    %broadcast_in_dim3A_174 = arith.constant 0.000000e+00 : f32
    %broadcast_in_dim3A_175 = vector.broadcast %broadcast_in_dim3A_174 : f32 to vector<64x64xf32>
    %slice3A_176 = vector.extract_strided_slice %add3A_173 {offsets = [0, 0], sizes = [1984, 64], strides = [1, 1]} : vector<2048x64xf32> to vector<1984x64xf32>
    %concatenate3A_177 = tpu.concatenate %broadcast_in_dim3A_175, %slice3A_176 in 0 : vector<64x64xf32>, vector<1984x64xf32> -> vector<2048x64xf32>
    %add3A_178 = arith.addf %add3A_173, %concatenate3A_177 : vector<2048x64xf32>
    %broadcast_in_dim3A_179 = arith.constant 0.000000e+00 : f32
    %broadcast_in_dim3A_180 = vector.broadcast %broadcast_in_dim3A_179 : f32 to vector<128x64xf32>
    %slice3A_181 = vector.extract_strided_slice %add3A_178 {offsets = [0, 0], sizes = [1920, 64], strides = [1, 1]} : vector<2048x64xf32> to vector<1920x64xf32>
    %concatenate3A_182 = tpu.concatenate %broadcast_in_dim3A_180, %slice3A_181 in 0 : vector<128x64xf32>, vector<1920x64xf32> -> vector<2048x64xf32>
    %add3A_183 = arith.addf %add3A_178, %concatenate3A_182 : vector<2048x64xf32>
    %broadcast_in_dim3A_184 = arith.constant 0.000000e+00 : f32
    %broadcast_in_dim3A_185 = vector.broadcast %broadcast_in_dim3A_184 : f32 to vector<256x64xf32>
    %slice3A_186 = vector.extract_strided_slice %add3A_183 {offsets = [0, 0], sizes = [1792, 64], strides = [1, 1]} : vector<2048x64xf32> to vector<1792x64xf32>
    %concatenate3A_187 = tpu.concatenate %broadcast_in_dim3A_185, %slice3A_186 in 0 : vector<256x64xf32>, vector<1792x64xf32> -> vector<2048x64xf32>
    %add3A_188 = arith.addf %add3A_183, %concatenate3A_187 : vector<2048x64xf32>
    %broadcast_in_dim3A_189 = arith.constant 0.000000e+00 : f32
    %broadcast_in_dim3A_190 = vector.broadcast %broadcast_in_dim3A_189 : f32 to vector<512x64xf32>
    %slice3A_191 = vector.extract_strided_slice %add3A_188 {offsets = [0, 0], sizes = [1536, 64], strides = [1, 1]} : vector<2048x64xf32> to vector<1536x64xf32>
    %concatenate3A_192 = tpu.concatenate %broadcast_in_dim3A_190, %slice3A_191 in 0 : vector<512x64xf32>, vector<1536x64xf32> -> vector<2048x64xf32>
    %add3A_193 = arith.addf %add3A_188, %concatenate3A_192 : vector<2048x64xf32>
    %broadcast_in_dim3A_194 = arith.constant 0.000000e+00 : f32
    %broadcast_in_dim3A_195 = vector.broadcast %broadcast_in_dim3A_194 : f32 to vector<1024x64xf32>
    %slice3A_196 = vector.extract_strided_slice %add3A_193 {offsets = [0, 0], sizes = [1024, 64], strides = [1, 1]} : vector<2048x64xf32> to vector<1024x64xf32>
    %concatenate3A_197 = tpu.concatenate %broadcast_in_dim3A_195, %slice3A_196 in 0 : vector<1024x64xf32>, vector<1024x64xf32> -> vector<2048x64xf32>
    %add3A_198 = arith.addf %add3A_193, %concatenate3A_197 : vector<2048x64xf32>
    %mul3A_199 = arith.mulf %add3A_198, %convert_element_type3A_135 : vector<2048x64xf32>
    %reduce_sum3A_200 = arith.constant dense<0.000000e+00> : vector<2048xf32>
    %reduce_sum3A_201 = vector.multi_reduction <add>, %mul3A_199, %reduce_sum3A_200 [1] : vector<2048x64xf32> to vector<2048xf32>
    %sub3A = arith.constant 1.000000e+00 : f32
    %sub3A_202 = vector.broadcast %sub3A : f32 to vector<2048xf32>
    %sub3A_203 = arith.subf %reduce_sum3A_201, %sub3A_202 : vector<2048xf32>
    %mul3A_204 = vector.broadcast %dot_general3A_144 : vector<1x64xf32> to vector<2048x64xf32>
    %mul3A_205 = arith.mulf %convert_element_type3A_135, %mul3A_204 : vector<2048x64xf32>
    %reduce_sum3A_206 = arith.constant dense<0.000000e+00> : vector<2048xf32>
    %reduce_sum3A_207 = vector.multi_reduction <add>, %mul3A_205, %reduce_sum3A_206 [1] : vector<2048x64xf32> to vector<2048xf32>
    %add3A_208 = arith.addf %sub3A_203, %reduce_sum3A_207 : vector<2048xf32>
    %convert_element_type3A_209 = arith.fptosi %add3A_208 : vector<2048xf32> to vector<2048xi32>
    %swap3A = arith.constant 0 : index
    %swap3A_210 = vector.load %arg7[%swap3A] : memref<2048xi32, #tpu.memory_space<vmem>>, vector<2048xi32>
    tpu.vector_store %arg7[%swap3A], %convert_element_type3A_209 {strides = array<i32>} : memref<2048xi32, #tpu.memory_space<vmem>>, vector<2048xi32>,
    %convert_element_type3A_211 = arith.fptosi %dot_general3A_144 : vector<1x64xf32> to vector<1x64xi32>
    %convert_element_type3A_212 = arith.fptosi %add3A_145 : vector<1x64xf32> to vector<1x64xi32>
    %gt3A = arith.cmpi sgt, %convert_element_type3A_212, %convert_element_type3A_211 : vector<1x64xi32>
    %jit3A = arith.constant 64 : i32
    %div3A_213 = vector.broadcast %jit3A : i32 to vector<1x64xi32>
    %div3A_214 = arith.divsi %convert_element_type3A_211, %div3A_213 : vector<1x64xi32>
    %sign3A = arith.constant 0 : i32
    %sign3A_215 = vector.broadcast %sign3A : i32 to vector<1x64xi32>
    %sign3A_216 = arith.cmpi sgt, %convert_element_type3A_211, %sign3A_215 : vector<1x64xi32>
    %sign3A_217 = arith.extui %sign3A_216 : vector<1x64xi1> to vector<1x64xi32>
    %sign3A_218 = arith.constant 0 : i32
    %sign3A_219 = vector.broadcast %sign3A_218 : i32 to vector<1x64xi32>
    %sign3A_220 = arith.cmpi slt, %convert_element_type3A_211, %sign3A_219 : vector<1x64xi32>
    %sign3A_221 = arith.extui %sign3A_220 : vector<1x64xi1> to vector<1x64xi32>
    %sign3A_222 = arith.subi %sign3A_217, %sign3A_221 : vector<1x64xi32>
    %sign3A_223 = arith.constant 0 : i32
    %sign3A_224 = arith.cmpi sgt, %jit3A, %sign3A_223 : i32
    %sign3A_225 = arith.extui %sign3A_224 : i1 to i32
    %sign3A_226 = arith.constant 0 : i32
    %sign3A_227 = arith.cmpi slt, %jit3A, %sign3A_226 : i32
    %sign3A_228 = arith.extui %sign3A_227 : i1 to i32
    %sign3A_229 = arith.subi %sign3A_225, %sign3A_228 : i32
    %ne3A = vector.broadcast %sign3A_229 : i32 to vector<1x64xi32>
    %ne3A_230 = arith.cmpi ne, %sign3A_222, %ne3A : vector<1x64xi32>
    %rem3A = vector.broadcast %jit3A : i32 to vector<1x64xi32>
    %rem3A_231 = arith.remsi %convert_element_type3A_211, %rem3A : vector<1x64xi32>
    %ne3A_232 = arith.constant 0 : i32
    %ne3A_233 = vector.broadcast %ne3A_232 : i32 to vector<1x64xi32>
    %ne3A_234 = arith.cmpi ne, %rem3A_231, %ne3A_233 : vector<1x64xi32>
    %and3A = arith.andi %ne3A_230, %ne3A_234 : vector<1x64xi1>
    %sub3A_235 = arith.constant 1 : i32
    %sub3A_236 = vector.broadcast %sub3A_235 : i32 to vector<1x64xi32>
    %sub3A_237 = arith.subi %div3A_214, %sub3A_236 : vector<1x64xi32>
    %select_n3A = arith.select %and3A, %sub3A_237, %div3A_214 : vector<1x64xi1>, vector<1x64xi32>
    %sub3A_238 = arith.constant 1 : i32
    %sub3A_239 = vector.broadcast %sub3A_238 : i32 to vector<1x64xi32>
    %sub3A_240 = arith.subi %convert_element_type3A_212, %sub3A_239 : vector<1x64xi32>
    %jit3A_241 = arith.constant 64 : i32
    %div3A_242 = vector.broadcast %jit3A_241 : i32 to vector<1x64xi32>
    %div3A_243 = arith.divsi %sub3A_240, %div3A_242 : vector<1x64xi32>
    %sign3A_244 = arith.constant 0 : i32
    %sign3A_245 = vector.broadcast %sign3A_244 : i32 to vector<1x64xi32>
    %sign3A_246 = arith.cmpi sgt, %sub3A_240, %sign3A_245 : vector<1x64xi32>
    %sign3A_247 = arith.extui %sign3A_246 : vector<1x64xi1> to vector<1x64xi32>
    %sign3A_248 = arith.constant 0 : i32
    %sign3A_249 = vector.broadcast %sign3A_248 : i32 to vector<1x64xi32>
    %sign3A_250 = arith.cmpi slt, %sub3A_240, %sign3A_249 : vector<1x64xi32>
    %sign3A_251 = arith.extui %sign3A_250 : vector<1x64xi1> to vector<1x64xi32>
    %sign3A_252 = arith.subi %sign3A_247, %sign3A_251 : vector<1x64xi32>
    %sign3A_253 = arith.constant 0 : i32
    %sign3A_254 = arith.cmpi sgt, %jit3A_241, %sign3A_253 : i32
    %sign3A_255 = arith.extui %sign3A_254 : i1 to i32
    %sign3A_256 = arith.constant 0 : i32
    %sign3A_257 = arith.cmpi slt, %jit3A_241, %sign3A_256 : i32
    %sign3A_258 = arith.extui %sign3A_257 : i1 to i32
    %sign3A_259 = arith.subi %sign3A_255, %sign3A_258 : i32
    %ne3A_260 = vector.broadcast %sign3A_259 : i32 to vector<1x64xi32>
    %ne3A_261 = arith.cmpi ne, %sign3A_252, %ne3A_260 : vector<1x64xi32>
    %rem3A_262 = vector.broadcast %jit3A_241 : i32 to vector<1x64xi32>
    %rem3A_263 = arith.remsi %sub3A_240, %rem3A_262 : vector<1x64xi32>
    %ne3A_264 = arith.constant 0 : i32
    %ne3A_265 = vector.broadcast %ne3A_264 : i32 to vector<1x64xi32>
    %ne3A_266 = arith.cmpi ne, %rem3A_263, %ne3A_265 : vector<1x64xi32>
    %and3A_267 = arith.andi %ne3A_261, %ne3A_266 : vector<1x64xi1>
    %sub3A_268 = arith.constant 1 : i32
    %sub3A_269 = vector.broadcast %sub3A_268 : i32 to vector<1x64xi32>
    %sub3A_270 = arith.subi %div3A_243, %sub3A_269 : vector<1x64xi32>
    %select_n3A_271 = arith.select %and3A_267, %sub3A_270, %div3A_243 : vector<1x64xi1>, vector<1x64xi32>
    %sub3A_272 = arith.subi %select_n3A_271, %select_n3A : vector<1x64xi32>
    %add3A_273 = arith.constant 1 : i32
    %add3A_274 = vector.broadcast %add3A_273 : i32 to vector<1x64xi32>
    %add3A_275 = arith.addi %sub3A_272, %add3A_274 : vector<1x64xi32>
    %jit3A_276 = arith.constant 0 : i32
    %broadcast_in_dim3A_277 = vector.broadcast %jit3A_276 : i32 to vector<1x64xi32>
    %select_n3A_278 = arith.select %gt3A, %add3A_275, %broadcast_in_dim3A_277 : vector<1x64xi1>, vector<1x64xi32>
    %concatenate3A_279 = tpu.concatenate %convert_element_type3A_211, %convert_element_type3A_212, %select_n3A, %select_n3A_278 in 0 : vector<1x64xi32>, vector<1x64xi32>, vector<1x64xi32>, vector<1x64xi32> -> vector<4x64xi32>
    %swap3A_280 = arith.constant 0 : index
    %swap3A_281 = arith.constant 0 : index
    %swap3A_282 = vector.load %arg10[%swap3A_280, %swap3A_281] : memref<4x64xi32, #tpu.memory_space<vmem>>, vector<4x64xi32>
    tpu.vector_store %arg10[%swap3A_280, %swap3A_281], %concatenate3A_279 {strides = array<i32>} : memref<4x64xi32, #tpu.memory_space<vmem>>, vector<4x64xi32>,
    tpu.enqueue_dma source(%arg10 : memref<4x64xi32, #tpu.memory_space<vmem>>) target(%arg13 : memref<4x64xi32, #tpu.memory_space<smem>>) target_semaphore(%arg15 : memref<!tpu.dma_semaphore, #tpu.memory_space<semaphore_mem>>)
    %convert_element_type3A_283 = arith.truncf %get3A_112 : vector<2048x768xf32> to vector<2048x768xbf16>
    %broadcast_in_dim3A_284 = vector.shape_cast %convert_element_type3A_209 : vector<2048xi32> to vector<2048x1xi32>
    %iota3A_285 = tpu.iota {dimensions = array<i32: 1>} : vector<1x256xi32>
    %add3A_286 = arith.constant 0 : i32
    %add3A_287 = vector.broadcast %add3A_286 : i32 to vector<1x256xi32>
    %add3A_288 = arith.addi %add3A_287, %iota3A_285 : vector<1x256xi32>
    %eq3A_289 = vector.broadcast %broadcast_in_dim3A_284 : vector<2048x1xi32> to vector<2048x256xi32>
    %eq3A_290 = vector.broadcast %add3A_288 : vector<1x256xi32> to vector<2048x256xi32>
    %eq3A_291 = arith.cmpi eq, %eq3A_289, %eq3A_290 : vector<2048x256xi32>
    %convert_element_type3A_292 = arith.extui %eq3A_291 : vector<2048x256xi1> to vector<2048x256xi32>
    %convert_element_type3A_293 = arith.sitofp %convert_element_type3A_292 : vector<2048x256xi32> to vector<2048x256xf32>
    %convert_element_type3A_294 = arith.truncf %convert_element_type3A_293 : vector<2048x256xf32> to vector<2048x256xbf16>
    %dot_general3A_295 = arith.constant dense<0.000000e+00> : vector<256x768xf32>
    %dot_general3A_296 = tpu.matmul %convert_element_type3A_294, %convert_element_type3A_283, %dot_general3A_295 {dimension_numbers = #tpu.dot_dimension_numbers<[0], [0], [1], [1], [0, 1, 1, 1], [], []>, transpose_lhs_hint = false} : vector<2048x256xbf16>, vector<2048x768xbf16>, vector<256x768xf32> -> vector<256x768xf32>
    %swap3A_297 = arith.constant 0 : index
    %swap3A_298 = arith.constant 0 : index
    %swap3A_299 = vector.load %arg9[%swap3A_297, %swap3A_298] : memref<2048x768xf32, #tpu.memory_space<vmem>>, vector<256x768xf32>
    tpu.vector_store %arg9[%swap3A_297, %swap3A_298], %dot_general3A_296 {strides = array<i32>} : memref<2048x768xf32, #tpu.memory_space<vmem>>, vector<256x768xf32>,
    %iota3A_300 = tpu.iota {dimensions = array<i32: 1>} : vector<1x256xi32>
    %add3A_301 = arith.constant 256 : i32
    %add3A_302 = vector.broadcast %add3A_301 : i32 to vector<1x256xi32>
    %add3A_303 = arith.addi %add3A_302, %iota3A_300 : vector<1x256xi32>
    %eq3A_304 = vector.broadcast %broadcast_in_dim3A_284 : vector<2048x1xi32> to vector<2048x256xi32>
    %eq3A_305 = vector.broadcast %add3A_303 : vector<1x256xi32> to vector<2048x256xi32>
    %eq3A_306 = arith.cmpi eq, %eq3A_304, %eq3A_305 : vector<2048x256xi32>
    %convert_element_type3A_307 = arith.extui %eq3A_306 : vector<2048x256xi1> to vector<2048x256xi32>
    %convert_element_type3A_308 = arith.sitofp %convert_element_type3A_307 : vector<2048x256xi32> to vector<2048x256xf32>
    %convert_element_type3A_309 = arith.truncf %convert_element_type3A_308 : vector<2048x256xf32> to vector<2048x256xbf16>
    %dot_general3A_310 = arith.constant dense<0.000000e+00> : vector<256x768xf32>
    %dot_general3A_311 = tpu.matmul %convert_element_type3A_309, %convert_element_type3A_283, %dot_general3A_310 {dimension_numbers = #tpu.dot_dimension_numbers<[0], [0], [1], [1], [0, 1, 1, 1], [], []>, transpose_lhs_hint = false} : vector<2048x256xbf16>, vector<2048x768xbf16>, vector<256x768xf32> -> vector<256x768xf32>
    %swap3A_312 = arith.constant 256 : index
    %swap3A_313 = arith.constant 0 : index
    %swap3A_314 = vector.load %arg9[%swap3A_312, %swap3A_313] : memref<2048x768xf32, #tpu.memory_space<vmem>>, vector<256x768xf32>
    tpu.vector_store %arg9[%swap3A_312, %swap3A_313], %dot_general3A_311 {strides = array<i32>} : memref<2048x768xf32, #tpu.memory_space<vmem>>, vector<256x768xf32>,
    %iota3A_315 = tpu.iota {dimensions = array<i32: 1>} : vector<1x256xi32>
    %add3A_316 = arith.constant 512 : i32
    %add3A_317 = vector.broadcast %add3A_316 : i32 to vector<1x256xi32>
    %add3A_318 = arith.addi %add3A_317, %iota3A_315 : vector<1x256xi32>
    %eq3A_319 = vector.broadcast %broadcast_in_dim3A_284 : vector<2048x1xi32> to vector<2048x256xi32>
    %eq3A_320 = vector.broadcast %add3A_318 : vector<1x256xi32> to vector<2048x256xi32>
    %eq3A_321 = arith.cmpi eq, %eq3A_319, %eq3A_320 : vector<2048x256xi32>
    %convert_element_type3A_322 = arith.extui %eq3A_321 : vector<2048x256xi1> to vector<2048x256xi32>
    %convert_element_type3A_323 = arith.sitofp %convert_element_type3A_322 : vector<2048x256xi32> to vector<2048x256xf32>
    %convert_element_type3A_324 = arith.truncf %convert_element_type3A_323 : vector<2048x256xf32> to vector<2048x256xbf16>
    %dot_general3A_325 = arith.constant dense<0.000000e+00> : vector<256x768xf32>
    %dot_general3A_326 = tpu.matmul %convert_element_type3A_324, %convert_element_type3A_283, %dot_general3A_325 {dimension_numbers = #tpu.dot_dimension_numbers<[0], [0], [1], [1], [0, 1, 1, 1], [], []>, transpose_lhs_hint = false} : vector<2048x256xbf16>, vector<2048x768xbf16>, vector<256x768xf32> -> vector<256x768xf32>
    %swap3A_327 = arith.constant 512 : index
    %swap3A_328 = arith.constant 0 : index
    %swap3A_329 = vector.load %arg9[%swap3A_327, %swap3A_328] : memref<2048x768xf32, #tpu.memory_space<vmem>>, vector<256x768xf32>
    tpu.vector_store %arg9[%swap3A_327, %swap3A_328], %dot_general3A_326 {strides = array<i32>} : memref<2048x768xf32, #tpu.memory_space<vmem>>, vector<256x768xf32>,
    %iota3A_330 = tpu.iota {dimensions = array<i32: 1>} : vector<1x256xi32>
    %add3A_331 = arith.constant 768 : i32
    %add3A_332 = vector.broadcast %add3A_331 : i32 to vector<1x256xi32>
    %add3A_333 = arith.addi %add3A_332, %iota3A_330 : vector<1x256xi32>
    %eq3A_334 = vector.broadcast %broadcast_in_dim3A_284 : vector<2048x1xi32> to vector<2048x256xi32>
    %eq3A_335 = vector.broadcast %add3A_333 : vector<1x256xi32> to vector<2048x256xi32>
    %eq3A_336 = arith.cmpi eq, %eq3A_334, %eq3A_335 : vector<2048x256xi32>
    %convert_element_type3A_337 = arith.extui %eq3A_336 : vector<2048x256xi1> to vector<2048x256xi32>
    %convert_element_type3A_338 = arith.sitofp %convert_element_type3A_337 : vector<2048x256xi32> to vector<2048x256xf32>
    %convert_element_type3A_339 = arith.truncf %convert_element_type3A_338 : vector<2048x256xf32> to vector<2048x256xbf16>
    %dot_general3A_340 = arith.constant dense<0.000000e+00> : vector<256x768xf32>
    %dot_general3A_341 = tpu.matmul %convert_element_type3A_339, %convert_element_type3A_283, %dot_general3A_340 {dimension_numbers = #tpu.dot_dimension_numbers<[0], [0], [1], [1], [0, 1, 1, 1], [], []>, transpose_lhs_hint = false} : vector<2048x256xbf16>, vector<2048x768xbf16>, vector<256x768xf32> -> vector<256x768xf32>
    %swap3A_342 = arith.constant 768 : index
    %swap3A_343 = arith.constant 0 : index
    %swap3A_344 = vector.load %arg9[%swap3A_342, %swap3A_343] : memref<2048x768xf32, #tpu.memory_space<vmem>>, vector<256x768xf32>
    tpu.vector_store %arg9[%swap3A_342, %swap3A_343], %dot_general3A_341 {strides = array<i32>} : memref<2048x768xf32, #tpu.memory_space<vmem>>, vector<256x768xf32>,
    %iota3A_345 = tpu.iota {dimensions = array<i32: 1>} : vector<1x256xi32>
    %add3A_346 = arith.constant 1024 : i32
    %add3A_347 = vector.broadcast %add3A_346 : i32 to vector<1x256xi32>
    %add3A_348 = arith.addi %add3A_347, %iota3A_345 : vector<1x256xi32>
    %eq3A_349 = vector.broadcast %broadcast_in_dim3A_284 : vector<2048x1xi32> to vector<2048x256xi32>
    %eq3A_350 = vector.broadcast %add3A_348 : vector<1x256xi32> to vector<2048x256xi32>
    %eq3A_351 = arith.cmpi eq, %eq3A_349, %eq3A_350 : vector<2048x256xi32>
    %convert_element_type3A_352 = arith.extui %eq3A_351 : vector<2048x256xi1> to vector<2048x256xi32>
    %convert_element_type3A_353 = arith.sitofp %convert_element_type3A_352 : vector<2048x256xi32> to vector<2048x256xf32>
    %convert_element_type3A_354 = arith.truncf %convert_element_type3A_353 : vector<2048x256xf32> to vector<2048x256xbf16>
    %dot_general3A_355 = arith.constant dense<0.000000e+00> : vector<256x768xf32>
    %dot_general3A_356 = tpu.matmul %convert_element_type3A_354, %convert_element_type3A_283, %dot_general3A_355 {dimension_numbers = #tpu.dot_dimension_numbers<[0], [0], [1], [1], [0, 1, 1, 1], [], []>, transpose_lhs_hint = false} : vector<2048x256xbf16>, vector<2048x768xbf16>, vector<256x768xf32> -> vector<256x768xf32>
    %swap3A_357 = arith.constant 1024 : index
    %swap3A_358 = arith.constant 0 : index
    %swap3A_359 = vector.load %arg9[%swap3A_357, %swap3A_358] : memref<2048x768xf32, #tpu.memory_space<vmem>>, vector<256x768xf32>
    tpu.vector_store %arg9[%swap3A_357, %swap3A_358], %dot_general3A_356 {strides = array<i32>} : memref<2048x768xf32, #tpu.memory_space<vmem>>, vector<256x768xf32>,
    %iota3A_360 = tpu.iota {dimensions = array<i32: 1>} : vector<1x256xi32>
    %add3A_361 = arith.constant 1280 : i32
    %add3A_362 = vector.broadcast %add3A_361 : i32 to vector<1x256xi32>
    %add3A_363 = arith.addi %add3A_362, %iota3A_360 : vector<1x256xi32>
    %eq3A_364 = vector.broadcast %broadcast_in_dim3A_284 : vector<2048x1xi32> to vector<2048x256xi32>
    %eq3A_365 = vector.broadcast %add3A_363 : vector<1x256xi32> to vector<2048x256xi32>
    %eq3A_366 = arith.cmpi eq, %eq3A_364, %eq3A_365 : vector<2048x256xi32>
    %convert_element_type3A_367 = arith.extui %eq3A_366 : vector<2048x256xi1> to vector<2048x256xi32>
    %convert_element_type3A_368 = arith.sitofp %convert_element_type3A_367 : vector<2048x256xi32> to vector<2048x256xf32>
    %convert_element_type3A_369 = arith.truncf %convert_element_type3A_368 : vector<2048x256xf32> to vector<2048x256xbf16>
    %dot_general3A_370 = arith.constant dense<0.000000e+00> : vector<256x768xf32>
    %dot_general3A_371 = tpu.matmul %convert_element_type3A_369, %convert_element_type3A_283, %dot_general3A_370 {dimension_numbers = #tpu.dot_dimension_numbers<[0], [0], [1], [1], [0, 1, 1, 1], [], []>, transpose_lhs_hint = false} : vector<2048x256xbf16>, vector<2048x768xbf16>, vector<256x768xf32> -> vector<256x768xf32>
    %swap3A_372 = arith.constant 1280 : index
    %swap3A_373 = arith.constant 0 : index
    %swap3A_374 = vector.load %arg9[%swap3A_372, %swap3A_373] : memref<2048x768xf32, #tpu.memory_space<vmem>>, vector<256x768xf32>
    tpu.vector_store %arg9[%swap3A_372, %swap3A_373], %dot_general3A_371 {strides = array<i32>} : memref<2048x768xf32, #tpu.memory_space<vmem>>, vector<256x768xf32>,
    %iota3A_375 = tpu.iota {dimensions = array<i32: 1>} : vector<1x256xi32>
    %add3A_376 = arith.constant 1536 : i32
    %add3A_377 = vector.broadcast %add3A_376 : i32 to vector<1x256xi32>
    %add3A_378 = arith.addi %add3A_377, %iota3A_375 : vector<1x256xi32>
    %eq3A_379 = vector.broadcast %broadcast_in_dim3A_284 : vector<2048x1xi32> to vector<2048x256xi32>
    %eq3A_380 = vector.broadcast %add3A_378 : vector<1x256xi32> to vector<2048x256xi32>
    %eq3A_381 = arith.cmpi eq, %eq3A_379, %eq3A_380 : vector<2048x256xi32>
    %convert_element_type3A_382 = arith.extui %eq3A_381 : vector<2048x256xi1> to vector<2048x256xi32>
    %convert_element_type3A_383 = arith.sitofp %convert_element_type3A_382 : vector<2048x256xi32> to vector<2048x256xf32>
    %convert_element_type3A_384 = arith.truncf %convert_element_type3A_383 : vector<2048x256xf32> to vector<2048x256xbf16>
    %dot_general3A_385 = arith.constant dense<0.000000e+00> : vector<256x768xf32>
    %dot_general3A_386 = tpu.matmul %convert_element_type3A_384, %convert_element_type3A_283, %dot_general3A_385 {dimension_numbers = #tpu.dot_dimension_numbers<[0], [0], [1], [1], [0, 1, 1, 1], [], []>, transpose_lhs_hint = false} : vector<2048x256xbf16>, vector<2048x768xbf16>, vector<256x768xf32> -> vector<256x768xf32>
    %swap3A_387 = arith.constant 1536 : index
    %swap3A_388 = arith.constant 0 : index
    %swap3A_389 = vector.load %arg9[%swap3A_387, %swap3A_388] : memref<2048x768xf32, #tpu.memory_space<vmem>>, vector<256x768xf32>
    tpu.vector_store %arg9[%swap3A_387, %swap3A_388], %dot_general3A_386 {strides = array<i32>} : memref<2048x768xf32, #tpu.memory_space<vmem>>, vector<256x768xf32>,
    %iota3A_390 = tpu.iota {dimensions = array<i32: 1>} : vector<1x256xi32>
    %add3A_391 = arith.constant 1792 : i32
    %add3A_392 = vector.broadcast %add3A_391 : i32 to vector<1x256xi32>
    %add3A_393 = arith.addi %add3A_392, %iota3A_390 : vector<1x256xi32>
    %eq3A_394 = vector.broadcast %broadcast_in_dim3A_284 : vector<2048x1xi32> to vector<2048x256xi32>
    %eq3A_395 = vector.broadcast %add3A_393 : vector<1x256xi32> to vector<2048x256xi32>
    %eq3A_396 = arith.cmpi eq, %eq3A_394, %eq3A_395 : vector<2048x256xi32>
    %convert_element_type3A_397 = arith.extui %eq3A_396 : vector<2048x256xi1> to vector<2048x256xi32>
    %convert_element_type3A_398 = arith.sitofp %convert_element_type3A_397 : vector<2048x256xi32> to vector<2048x256xf32>
    %convert_element_type3A_399 = arith.truncf %convert_element_type3A_398 : vector<2048x256xf32> to vector<2048x256xbf16>
    %dot_general3A_400 = arith.constant dense<0.000000e+00> : vector<256x768xf32>
    %dot_general3A_401 = tpu.matmul %convert_element_type3A_399, %convert_element_type3A_283, %dot_general3A_400 {dimension_numbers = #tpu.dot_dimension_numbers<[0], [0], [1], [1], [0, 1, 1, 1], [], []>, transpose_lhs_hint = false} : vector<2048x256xbf16>, vector<2048x768xbf16>, vector<256x768xf32> -> vector<256x768xf32>
    %swap3A_402 = arith.constant 1792 : index
    %swap3A_403 = arith.constant 0 : index
    %swap3A_404 = vector.load %arg9[%swap3A_402, %swap3A_403] : memref<2048x768xf32, #tpu.memory_space<vmem>>, vector<256x768xf32>
    tpu.vector_store %arg9[%swap3A_402, %swap3A_403], %dot_general3A_401 {strides = array<i32>} : memref<2048x768xf32, #tpu.memory_space<vmem>>, vector<256x768xf32>,
    tpu.wait_dma2 semaphore(%arg15 : memref<!tpu.dma_semaphore, #tpu.memory_space<semaphore_mem>>) src(%arg10 : memref<4x64xi32, #tpu.memory_space<vmem>>) dst(%arg13 : memref<4x64xi32, #tpu.memory_space<smem>>)
    %scan3A = arith.constant 0 : i32
    %scan3A_405 = arith.constant 64 : i32
    %scan3A_406 = arith.addi %scan3A, %scan3A_405 : i32
    %scan3A_407 = arith.constant 1 : i32
    scf.for %scan3A_409 = %scan3A to %scan3A_406 step %scan3A_407  : i32 {
      %rem3A_410 = arith.constant 4 : i32
      %rem3A_411 = arith.remsi %scan3A_409, %rem3A_410 : i32
      %dma_wait3A = tpu.memref_slice %arg16[%rem3A_411] : memref<4x!tpu.dma_semaphore, #tpu.memory_space<semaphore_mem>> -> memref<1x!tpu.dma_semaphore, #tpu.memory_space<semaphore_mem>>
      %dma_wait3A_412 = tpu.memref_squeeze %dma_wait3A : memref<1x!tpu.dma_semaphore, #tpu.memory_space<semaphore_mem>> -> memref<!tpu.dma_semaphore, #tpu.memory_space<semaphore_mem>>
      %dma_wait3A_413 = arith.constant 0 : i32
      %dma_wait3A_414 = arith.constant 0 : i32
      %dma_wait3A_415 = arith.constant 0 : i32
      %dma_wait3A_416 = tpu.memref_slice %arg11[%rem3A_411, %dma_wait3A_413, %dma_wait3A_414, %dma_wait3A_415] : memref<4x2x64x768xf32, #tpu.memory_space<vmem>> -> memref<1x2x64x768xf32, #tpu.memory_space<vmem>>
      %dma_wait3A_417 = tpu.memref_squeeze %dma_wait3A_416 : memref<1x2x64x768xf32, #tpu.memory_space<vmem>> -> memref<2x64x768xf32, #tpu.memory_space<vmem>>
      %dma_wait3A_418 = arith.constant 0 : i32
      %dma_wait3A_419 = arith.constant 0 : i32
      %dma_wait3A_420 = arith.constant 0 : i32
      %dma_wait3A_421 = tpu.memref_slice %arg4[%scan3A_409, %dma_wait3A_418, %dma_wait3A_419, %dma_wait3A_420] : memref<64x2x64x768xf32, #tpu.memory_space<any>> -> memref<1x2x64x768xf32, #tpu.memory_space<any>>
      %dma_wait3A_422 = tpu.memref_squeeze %dma_wait3A_421 : memref<1x2x64x768xf32, #tpu.memory_space<any>> -> memref<2x64x768xf32, #tpu.memory_space<any>>
      tpu.wait_dma2 semaphore(%dma_wait3A_412 : memref<!tpu.dma_semaphore, #tpu.memory_space<semaphore_mem>>) src(%dma_wait3A_422 : memref<2x64x768xf32, #tpu.memory_space<any>>) dst(%dma_wait3A_417 : memref<2x64x768xf32, #tpu.memory_space<vmem>>)
      %dma_wait3A_423 = tpu.memref_slice %arg17[%rem3A_411] : memref<4x!tpu.dma_semaphore, #tpu.memory_space<semaphore_mem>> -> memref<1x!tpu.dma_semaphore, #tpu.memory_space<semaphore_mem>>
      %dma_wait3A_424 = tpu.memref_squeeze %dma_wait3A_423 : memref<1x!tpu.dma_semaphore, #tpu.memory_space<semaphore_mem>> -> memref<!tpu.dma_semaphore, #tpu.memory_space<semaphore_mem>>
      %dma_wait3A_425 = arith.constant 0 : i32
      %dma_wait3A_426 = arith.constant 0 : i32
      %dma_wait3A_427 = tpu.memref_slice %arg12[%rem3A_411, %dma_wait3A_425, %dma_wait3A_426] : memref<4x64x768xf32, #tpu.memory_space<vmem>> -> memref<1x64x768xf32, #tpu.memory_space<vmem>>
      %dma_wait3A_428 = tpu.memref_squeeze %dma_wait3A_427 : memref<1x64x768xf32, #tpu.memory_space<vmem>> -> memref<64x768xf32, #tpu.memory_space<vmem>>
      %dma_wait3A_429 = arith.constant 0 : i32
      %dma_wait3A_430 = arith.constant 0 : i32
      %dma_wait3A_431 = tpu.memref_slice %arg5[%scan3A_409, %dma_wait3A_429, %dma_wait3A_430] : memref<64x64x768xf32, #tpu.memory_space<any>> -> memref<1x64x768xf32, #tpu.memory_space<any>>
      %dma_wait3A_432 = tpu.memref_squeeze %dma_wait3A_431 : memref<1x64x768xf32, #tpu.memory_space<any>> -> memref<64x768xf32, #tpu.memory_space<any>>
      tpu.wait_dma2 semaphore(%dma_wait3A_424 : memref<!tpu.dma_semaphore, #tpu.memory_space<semaphore_mem>>) src(%dma_wait3A_432 : memref<64x768xf32, #tpu.memory_space<any>>) dst(%dma_wait3A_428 : memref<64x768xf32, #tpu.memory_space<vmem>>)
      %get3A_433 = arith.constant 0 : index
      %get3A_434 = arith.index_cast %scan3A_409 : i32 to index
      %get3A_435 = memref.load %arg13[%get3A_433, %get3A_434] : memref<4x64xi32, #tpu.memory_space<smem>>
      %get3A_436 = arith.constant 1 : index
      %get3A_437 = arith.index_cast %scan3A_409 : i32 to index
      %get3A_438 = memref.load %arg13[%get3A_436, %get3A_437] : memref<4x64xi32, #tpu.memory_space<smem>>
      %get3A_439 = arith.constant 2 : index
      %get3A_440 = arith.index_cast %scan3A_409 : i32 to index
      %get3A_441 = memref.load %arg13[%get3A_439, %get3A_440] : memref<4x64xi32, #tpu.memory_space<smem>>
      %get3A_442 = arith.constant 3 : index
      %get3A_443 = arith.index_cast %scan3A_409 : i32 to index
      %get3A_444 = memref.load %arg13[%get3A_442, %get3A_443] : memref<4x64xi32, #tpu.memory_space<smem>>
      %get3A_445 = arith.index_cast %scan3A_409 : i32 to index
      %get3A_446 = memref.load %arg0[%get3A_445] : memref<64xf32, #tpu.memory_space<smem>>
      %get3A_447 = arith.index_cast %rem3A_411 : i32 to index
      %get3A_448 = arith.constant 0 : index
      %get3A_449 = arith.constant 0 : index
      %get3A_450 = arith.constant 0 : index
      %get3A_451 = vector.load %arg11[%get3A_447, %get3A_448, %get3A_449, %get3A_450] : memref<4x2x64x768xf32, #tpu.memory_space<vmem>>, vector<1x1x64x768xf32>
      %get3A_452 = vector.shape_cast %get3A_451 : vector<1x1x64x768xf32> to vector<64x768xf32>
      %get3A_453 = arith.index_cast %rem3A_411 : i32 to index
      %get3A_454 = arith.constant 1 : index
      %get3A_455 = arith.constant 0 : index
      %get3A_456 = arith.constant 0 : index
      %get3A_457 = vector.load %arg11[%get3A_453, %get3A_454, %get3A_455, %get3A_456] : memref<4x2x64x768xf32, #tpu.memory_space<vmem>>, vector<1x1x64x768xf32>
      %get3A_458 = vector.shape_cast %get3A_457 : vector<1x1x64x768xf32> to vector<64x768xf32>
      %get3A_459 = arith.index_cast %rem3A_411 : i32 to index
      %get3A_460 = arith.constant 0 : index
      %get3A_461 = arith.constant 0 : index
      %get3A_462 = vector.load %arg12[%get3A_459, %get3A_460, %get3A_461] : memref<4x64x768xf32, #tpu.memory_space<vmem>>, vector<1x64x768xf32>
      %get3A_463 = vector.shape_cast %get3A_462 : vector<1x64x768xf32> to vector<64x768xf32>
      %while3A = arith.constant 0 : i32
      %while3A_464 = arith.constant 0 : i32
      %while3A_465 = arith.subi %get3A_444, %while3A_464 : i32
      %while3A_466 = arith.addi %while3A_464, %while3A_465 : i32
      %while3A_467 = arith.constant 1 : i32
      %while3A_468 = arith.divsi %while3A_465, %while3A_467 : i32
      %while3A_469 = arith.muli %while3A_468, %while3A_467 : i32
      %while3A_470 = arith.addi %while3A_464, %while3A_469 : i32
      %while3A_471 = arith.constant 1 : i32
      scf.for %while3A_479 = %while3A_464 to %while3A_470 step %while3A_471  : i32 {
        %add3A_480 = arith.addi %get3A_441, %while3A_479 : i32
        %mul3A_481 = arith.constant 64 : i32
        %mul3A_482 = arith.muli %add3A_480, %mul3A_481 : i32
        %get3A_483 = arith.index_cast %mul3A_482 : i32 to index
        %get3A_484 = arith.constant 0 : index
        %get3A_485 = vector.load %arg9[%get3A_483, %get3A_484] : memref<2048x768xf32, #tpu.memory_space<vmem>>, vector<64x768xf32>
        %dot_general3A_486 = arith.constant dense<0.000000e+00> : vector<64x64xf32>
        %dot_general3A_487 = tpu.matmul %get3A_485, %get3A_452, %dot_general3A_486 {dimension_numbers = #tpu.dot_dimension_numbers<[1], [1], [0], [0], [0, 0, 1, 0], [], []>, transpose_lhs_hint = false} : vector<64x768xf32>, vector<64x768xf32>, vector<64x64xf32> -> vector<64x64xf32>
        %dot_general3A_488 = arith.constant dense<0.000000e+00> : vector<64x64xf32>
        %dot_general3A_489 = tpu.matmul %get3A_485, %get3A_458, %dot_general3A_488 {dimension_numbers = #tpu.dot_dimension_numbers<[1], [1], [0], [0], [0, 0, 1, 0], [], []>, transpose_lhs_hint = false} : vector<64x768xf32>, vector<64x768xf32>, vector<64x64xf32> -> vector<64x64xf32>
        %integer_pow3A = arith.mulf %dot_general3A_487, %dot_general3A_487 : vector<64x64xf32>
        %integer_pow3A_490 = arith.mulf %dot_general3A_487, %integer_pow3A : vector<64x64xf32>
        %mul3A_491 = arith.constant 4.471500e-02 : f32
        %mul3A_492 = vector.broadcast %mul3A_491 : f32 to vector<64x64xf32>
        %mul3A_493 = arith.mulf %mul3A_492, %integer_pow3A_490 : vector<64x64xf32>
        %add3A_494 = arith.addf %dot_general3A_487, %mul3A_493 : vector<64x64xf32>
        %mul3A_495 = arith.constant 0.797884583 : f32
        %mul3A_496 = vector.broadcast %mul3A_495 : f32 to vector<64x64xf32>
        %mul3A_497 = arith.mulf %mul3A_496, %add3A_494 : vector<64x64xf32>
        %tanh3A = math.tanh %mul3A_497 : vector<64x64xf32>
        %add3A_498 = arith.constant 1.000000e+00 : f32
        %add3A_499 = vector.broadcast %add3A_498 : f32 to vector<64x64xf32>
        %add3A_500 = arith.addf %add3A_499, %tanh3A : vector<64x64xf32>
        %mul3A_501 = arith.constant 5.000000e-01 : f32
        %mul3A_502 = vector.broadcast %mul3A_501 : f32 to vector<64x64xf32>
        %mul3A_503 = arith.mulf %mul3A_502, %add3A_500 : vector<64x64xf32>
        %mul3A_504 = arith.mulf %dot_general3A_487, %mul3A_503 : vector<64x64xf32>
        %mul3A_505 = arith.mulf %mul3A_504, %dot_general3A_489 : vector<64x64xf32>
        %dot_general3A_506 = arith.constant dense<0.000000e+00> : vector<64x768xf32>
        %dot_general3A_507 = tpu.matmul %mul3A_505, %get3A_463, %dot_general3A_506 {dimension_numbers = #tpu.dot_dimension_numbers<[1], [0], [0], [1], [0, 0, 1, 1], [], []>, transpose_lhs_hint = false} : vector<64x64xf32>, vector<64x768xf32>, vector<64x768xf32> -> vector<64x768xf32>
        %iota3A_508 = tpu.iota {dimensions = array<i32: 0>} : vector<64x1xi32>
        %add3A_509 = vector.broadcast %mul3A_482 : i32 to vector<64x1xi32>
        %add3A_510 = arith.addi %add3A_509, %iota3A_508 : vector<64x1xi32>
        %ge3A = vector.broadcast %get3A_435 : i32 to vector<64x1xi32>
        %ge3A_511 = arith.cmpi sge, %add3A_510, %ge3A : vector<64x1xi32>
        %lt3A_512 = vector.broadcast %get3A_438 : i32 to vector<64x1xi32>
        %lt3A_513 = arith.cmpi slt, %add3A_510, %lt3A_512 : vector<64x1xi32>
        %and3A_514 = arith.andi %ge3A_511, %lt3A_513 : vector<64x1xi1>
        %mul3A_515 = vector.broadcast %get3A_446 : f32 to vector<64x768xf32>
        %mul3A_516 = arith.mulf %dot_general3A_507, %mul3A_515 : vector<64x768xf32>
        %get3A_517 = arith.index_cast %mul3A_482 : i32 to index
        %get3A_518 = arith.constant 0 : index
        %get3A_519 = vector.load %arg6[%get3A_517, %get3A_518] : memref<2048x768xf32, #tpu.memory_space<vmem>>, vector<64x768xf32>
        %broadcast_in_dim3A_520 = vector.shape_cast %and3A_514 : vector<64x1xi1> to vector<64x1xi1>
        %broadcast_in_dim3A_521 = vector.broadcast %broadcast_in_dim3A_520 : vector<64x1xi1> to vector<64x768xi1>
        %select_n3A_522 = arith.select %broadcast_in_dim3A_521, %mul3A_516, %get3A_519 : vector<64x768xi1>, vector<64x768xf32>
        %swap3A_523 = arith.index_cast %mul3A_482 : i32 to index
        %swap3A_524 = arith.constant 0 : index
        %swap3A_525 = vector.load %arg6[%swap3A_523, %swap3A_524] : memref<2048x768xf32, #tpu.memory_space<vmem>>, vector<64x768xf32>
        tpu.vector_store %arg6[%swap3A_523, %swap3A_524], %select_n3A_522 {strides = array<i32>} : memref<2048x768xf32, #tpu.memory_space<vmem>>, vector<64x768xf32>,
      }
      %while3A_472 = arith.constant 1 : i32
      scf.for %while3A_479 = %while3A_470 to %while3A_466 step %while3A_472  : i32 {
        %add3A_480 = arith.addi %get3A_441, %while3A_479 : i32
        %mul3A_481 = arith.constant 64 : i32
        %mul3A_482 = arith.muli %add3A_480, %mul3A_481 : i32
        %get3A_483 = arith.index_cast %mul3A_482 : i32 to index
        %get3A_484 = arith.constant 0 : index
        %get3A_485 = vector.load %arg9[%get3A_483, %get3A_484] : memref<2048x768xf32, #tpu.memory_space<vmem>>, vector<64x768xf32>
        %dot_general3A_486 = arith.constant dense<0.000000e+00> : vector<64x64xf32>
        %dot_general3A_487 = tpu.matmul %get3A_485, %get3A_452, %dot_general3A_486 {dimension_numbers = #tpu.dot_dimension_numbers<[1], [1], [0], [0], [0, 0, 1, 0], [], []>, transpose_lhs_hint = false} : vector<64x768xf32>, vector<64x768xf32>, vector<64x64xf32> -> vector<64x64xf32>
        %dot_general3A_488 = arith.constant dense<0.000000e+00> : vector<64x64xf32>
        %dot_general3A_489 = tpu.matmul %get3A_485, %get3A_458, %dot_general3A_488 {dimension_numbers = #tpu.dot_dimension_numbers<[1], [1], [0], [0], [0, 0, 1, 0], [], []>, transpose_lhs_hint = false} : vector<64x768xf32>, vector<64x768xf32>, vector<64x64xf32> -> vector<64x64xf32>
        %integer_pow3A = arith.mulf %dot_general3A_487, %dot_general3A_487 : vector<64x64xf32>
        %integer_pow3A_490 = arith.mulf %dot_general3A_487, %integer_pow3A : vector<64x64xf32>
        %mul3A_491 = arith.constant 4.471500e-02 : f32
        %mul3A_492 = vector.broadcast %mul3A_491 : f32 to vector<64x64xf32>
        %mul3A_493 = arith.mulf %mul3A_492, %integer_pow3A_490 : vector<64x64xf32>
        %add3A_494 = arith.addf %dot_general3A_487, %mul3A_493 : vector<64x64xf32>
        %mul3A_495 = arith.constant 0.797884583 : f32
        %mul3A_496 = vector.broadcast %mul3A_495 : f32 to vector<64x64xf32>
        %mul3A_497 = arith.mulf %mul3A_496, %add3A_494 : vector<64x64xf32>
        %tanh3A = math.tanh %mul3A_497 : vector<64x64xf32>
        %add3A_498 = arith.constant 1.000000e+00 : f32
        %add3A_499 = vector.broadcast %add3A_498 : f32 to vector<64x64xf32>
        %add3A_500 = arith.addf %add3A_499, %tanh3A : vector<64x64xf32>
        %mul3A_501 = arith.constant 5.000000e-01 : f32
        %mul3A_502 = vector.broadcast %mul3A_501 : f32 to vector<64x64xf32>
        %mul3A_503 = arith.mulf %mul3A_502, %add3A_500 : vector<64x64xf32>
        %mul3A_504 = arith.mulf %dot_general3A_487, %mul3A_503 : vector<64x64xf32>
        %mul3A_505 = arith.mulf %mul3A_504, %dot_general3A_489 : vector<64x64xf32>
        %dot_general3A_506 = arith.constant dense<0.000000e+00> : vector<64x768xf32>
        %dot_general3A_507 = tpu.matmul %mul3A_505, %get3A_463, %dot_general3A_506 {dimension_numbers = #tpu.dot_dimension_numbers<[1], [0], [0], [1], [0, 0, 1, 1], [], []>, transpose_lhs_hint = false} : vector<64x64xf32>, vector<64x768xf32>, vector<64x768xf32> -> vector<64x768xf32>
        %iota3A_508 = tpu.iota {dimensions = array<i32: 0>} : vector<64x1xi32>
        %add3A_509 = vector.broadcast %mul3A_482 : i32 to vector<64x1xi32>
        %add3A_510 = arith.addi %add3A_509, %iota3A_508 : vector<64x1xi32>
        %ge3A = vector.broadcast %get3A_435 : i32 to vector<64x1xi32>
        %ge3A_511 = arith.cmpi sge, %add3A_510, %ge3A : vector<64x1xi32>
        %lt3A_512 = vector.broadcast %get3A_438 : i32 to vector<64x1xi32>
        %lt3A_513 = arith.cmpi slt, %add3A_510, %lt3A_512 : vector<64x1xi32>
        %and3A_514 = arith.andi %ge3A_511, %lt3A_513 : vector<64x1xi1>
        %mul3A_515 = vector.broadcast %get3A_446 : f32 to vector<64x768xf32>
        %mul3A_516 = arith.mulf %dot_general3A_507, %mul3A_515 : vector<64x768xf32>
        %get3A_517 = arith.index_cast %mul3A_482 : i32 to index
        %get3A_518 = arith.constant 0 : index
        %get3A_519 = vector.load %arg6[%get3A_517, %get3A_518] : memref<2048x768xf32, #tpu.memory_space<vmem>>, vector<64x768xf32>
        %broadcast_in_dim3A_520 = vector.shape_cast %and3A_514 : vector<64x1xi1> to vector<64x1xi1>
        %broadcast_in_dim3A_521 = vector.broadcast %broadcast_in_dim3A_520 : vector<64x1xi1> to vector<64x768xi1>
        %select_n3A_522 = arith.select %broadcast_in_dim3A_521, %mul3A_516, %get3A_519 : vector<64x768xi1>, vector<64x768xf32>
        %swap3A_523 = arith.index_cast %mul3A_482 : i32 to index
        %swap3A_524 = arith.constant 0 : index
        %swap3A_525 = vector.load %arg6[%swap3A_523, %swap3A_524] : memref<2048x768xf32, #tpu.memory_space<vmem>>, vector<64x768xf32>
        tpu.vector_store %arg6[%swap3A_523, %swap3A_524], %select_n3A_522 {strides = array<i32>} : memref<2048x768xf32, #tpu.memory_space<vmem>>, vector<64x768xf32>,
      }
      %add3A_473 = arith.constant 4 : i32
      %add3A_474 = arith.addi %scan3A_409, %add3A_473 : i32
      %lt3A_475 = arith.constant 64 : i32
      %lt3A_476 = arith.cmpi slt, %add3A_474, %lt3A_475 : i32
      %convert_element_type3A_477 = arith.extui %lt3A_476 : i1 to i32
      %cond3A = arith.constant 0 : i32
      %cond3A_478 = arith.cmpi ne, %convert_element_type3A_477, %cond3A : i32
      scf.if %cond3A_478 {
        %add3A_479 = arith.constant 4 : i32
        %add3A_480 = arith.addi %scan3A_409, %add3A_479 : i32
        %dma_start3A_481 = tpu.memref_slice %arg16[%rem3A_411] : memref<4x!tpu.dma_semaphore, #tpu.memory_space<semaphore_mem>> -> memref<1x!tpu.dma_semaphore, #tpu.memory_space<semaphore_mem>>
        %dma_start3A_482 = tpu.memref_squeeze %dma_start3A_481 : memref<1x!tpu.dma_semaphore, #tpu.memory_space<semaphore_mem>> -> memref<!tpu.dma_semaphore, #tpu.memory_space<semaphore_mem>>
        %dma_start3A_483 = arith.constant 0 : i32
        %dma_start3A_484 = arith.constant 0 : i32
        %dma_start3A_485 = arith.constant 0 : i32
        %dma_start3A_486 = tpu.memref_slice %arg11[%rem3A_411, %dma_start3A_483, %dma_start3A_484, %dma_start3A_485] : memref<4x2x64x768xf32, #tpu.memory_space<vmem>> -> memref<1x2x64x768xf32, #tpu.memory_space<vmem>>
        %dma_start3A_487 = tpu.memref_squeeze %dma_start3A_486 : memref<1x2x64x768xf32, #tpu.memory_space<vmem>> -> memref<2x64x768xf32, #tpu.memory_space<vmem>>
        %dma_start3A_488 = arith.constant 0 : i32
        %dma_start3A_489 = arith.constant 0 : i32
        %dma_start3A_490 = arith.constant 0 : i32
        %dma_start3A_491 = tpu.memref_slice %arg4[%add3A_480, %dma_start3A_488, %dma_start3A_489, %dma_start3A_490] : memref<64x2x64x768xf32, #tpu.memory_space<any>> -> memref<1x2x64x768xf32, #tpu.memory_space<any>>
        %dma_start3A_492 = tpu.memref_squeeze %dma_start3A_491 : memref<1x2x64x768xf32, #tpu.memory_space<any>> -> memref<2x64x768xf32, #tpu.memory_space<any>>
        tpu.enqueue_dma source(%dma_start3A_492 : memref<2x64x768xf32, #tpu.memory_space<any>>) target(%dma_start3A_487 : memref<2x64x768xf32, #tpu.memory_space<vmem>>) target_semaphore(%dma_start3A_482 : memref<!tpu.dma_semaphore, #tpu.memory_space<semaphore_mem>>)
        %dma_start3A_493 = tpu.memref_slice %arg17[%rem3A_411] : memref<4x!tpu.dma_semaphore, #tpu.memory_space<semaphore_mem>> -> memref<1x!tpu.dma_semaphore, #tpu.memory_space<semaphore_mem>>
        %dma_start3A_494 = tpu.memref_squeeze %dma_start3A_493 : memref<1x!tpu.dma_semaphore, #tpu.memory_space<semaphore_mem>> -> memref<!tpu.dma_semaphore, #tpu.memory_space<semaphore_mem>>
        %dma_start3A_495 = arith.constant 0 : i32
        %dma_start3A_496 = arith.constant 0 : i32
        %dma_start3A_497 = tpu.memref_slice %arg12[%rem3A_411, %dma_start3A_495, %dma_start3A_496] : memref<4x64x768xf32, #tpu.memory_space<vmem>> -> memref<1x64x768xf32, #tpu.memory_space<vmem>>
        %dma_start3A_498 = tpu.memref_squeeze %dma_start3A_497 : memref<1x64x768xf32, #tpu.memory_space<vmem>> -> memref<64x768xf32, #tpu.memory_space<vmem>>
        %dma_start3A_499 = arith.constant 0 : i32
        %dma_start3A_500 = arith.constant 0 : i32
        %dma_start3A_501 = tpu.memref_slice %arg5[%add3A_480, %dma_start3A_499, %dma_start3A_500] : memref<64x64x768xf32, #tpu.memory_space<any>> -> memref<1x64x768xf32, #tpu.memory_space<any>>
        %dma_start3A_502 = tpu.memref_squeeze %dma_start3A_501 : memref<1x64x768xf32, #tpu.memory_space<any>> -> memref<64x768xf32, #tpu.memory_space<any>>
        tpu.enqueue_dma source(%dma_start3A_502 : memref<64x768xf32, #tpu.memory_space<any>>) target(%dma_start3A_498 : memref<64x768xf32, #tpu.memory_space<vmem>>) target_semaphore(%dma_start3A_494 : memref<!tpu.dma_semaphore, #tpu.memory_space<semaphore_mem>>)
      } else {
      }
    }
    %scan3A_408 = arith.constant 64 : i32
    return
  }
}

</mosaic_0001>

<sc_bundles>
// kernel: kernel.4.cloned.1.call-start
scs
__scs_entry_jumppad:
0x0: {  	(pc) =	sbr.rel $0x88, $3  }
0x1: {  	(tag) =	ssettag $0x0;
	lr =	simm.s32 $0x1  }
0x2: {  	[smem:$0x3F9B] =	sst lr;
	_ =	strace $0xD0000000  }
0x3: {  	_ = 	snop  }
0x4: {  	_ = 	snop  }
0x5: {  	_ = 	snop  }
0x6: {  	_ = 	snop  }
0x7: {  	_ = 	snop  }
__scs_overlays_trampoline_lowered:
0x8: {  	[smem:$0x3FAA] =	sst s0  }
0x9: {  	[smem:$0x3FAB] =	sst s1  }
0xa: {  	[smem:$0x3FAC] =	sst s2  }
0xb: {  	[smem:$0x3FAD] =	sst s3  }
0xc: {  	[smem:$0x3FAE] =	sst s4  }
0xd: {  	[smem:$0x3FAF] =	sst s5  }
0xe: {  	[smem:$0x3FB0] =	sst s6  }
0xf: {  	[smem:$0x3FB1] =	sst s7  }
0x10: {  	[smem:$0x3FB2] =	sst s8  }
0x11: {  	[smem:$0x3FB3] =	sst s9;
	s0 =	simm.s32 @!p0 $0x0  }
0x12: {  	s1 =	sld [smem:$0x3F99];
	s0 =	simm.s32 @p0 $0x1  }
0x13: {  	[smem:$0x3FB4] =	sst s0;
	s0 =	simm.s32 @!p1 $0x0  }
0x14: {  	s2 =	sld [smem:$0x3F98];
	s0 =	simm.s32 @p1 $0x1  }
0x15: {  	[smem:$0x3FB5] =	sst s0;
	s0 =	simm.s32 @!p2 $0x0  }
0x16: {  	s3 =	sld [smem:$0x3FDB];
	s0 =	simm.s32 @p2 $0x1  }
0x17: {  	s4 =	simm.s32 $0x1BF5;
	[smem:$0x3FB7] =	sst s0  }
0x18: {  	s0 =	sld [smem:$0x3F9A];
	_ =	swait.ge [sflag:s4], $0x0  }
0x19: {  	s7 =	sld [smem:$0x3F9B]  }
0x1a: {  	s8 =	sadd.s32 $0xFFFFE003, lr  }
0x1b: {  	s9 =	sadd.s32 $0xFFFFFEF7, lr;
	s5 =	simm.s32 $0xFFFFFFFF;
	p2 =	slt.u32 s8, $0xFFFFF086  }
0x1c: {  	p1 =	slt.u32 s9, $0xF7A;
	s5 =	simm.s32 @!p2 $0x0  }
0x1d: {  	s5 =	simm.s32 @p1 $0x1;
	p0 =	seq.s32 s7, s2  }
0x1e: {  	s7 =	smul.u32 @!p0 $0xF7A, s2;
	p2 =	seq.s32 @!p0 s5, $0x0  }
0x1f: {  	s9 =	smul.u32 $0xF7A, s1;
	s8 =	simm.s32 @!p0 $0x1BF5;
	p2 =	por !p2, p0  }
0x20: {  	[sflag:s8] =	ssyncset.s32 @!p0 $0xFFFFF086;
	s6 =	sadd.s32 @!p0 s3, s7;
	s7 =	simm.s32 @!p0 $0x108  }
0x21: {  	s3 =	sadd.s32 s3, s9;
	s6 =	sadd.s32 @!p0 $0x88, s6;
	s7 =	simm.s32 @p2 $0x1082  }
0x22: {  	[simem:s7], [sflag:s8] =	dma.local @!p0 [hbm:s6], $0xF7A  }
0x23: {  	s9 =	sor.u32 $0xD0000000, s2;
	s6 =	simm.s32 $0x108;
	_ =	swait.ge @!p0 [sflag:s8], $0x0  }
0x24: {  	s3 =	sadd.s32 $0x88, s3;
	s6 =	simm.s32 @!p1 $0x1082;
	[sflag:s4] =	ssyncset.s32 $0xFFFFF086  }
0x25: {  	[simem:s6], [sflag:s4] =	dma.local [hbm:s3], $0xF7A  }
0x26: {  	[smem:$0x3F9B] =	sst s1;
	(tag) =	ssettag s2;
	_ =	strace s9  }
0x27: {  	s1 =	sld [smem:$0x3FAB]  }
0x28: {  	s2 =	sld [smem:$0x3FAC]  }
0x29: {  	s4 =	sld [smem:$0x3FAE]  }
0x2a: {  	p0 =	seq.s32 s5, $0x0;
	s5 =	sld [smem:$0x3FAF]  }
0x2b: {  	s6 =	sld [smem:$0x3FB0]  }
0x2c: {  	s7 =	sld [smem:$0x3FB1]  }
0x2d: {  	s3 =	simm.s32 $0x108;
	s8 =	sld [smem:$0x3FB2]  }
0x2e: {  	s3 =	simm.s32 @!p0 $0x1082;
	s9 =	sld [smem:$0x3FB3]  }
0x2f: {  	lr =	sadd.s32 s0, s3;
	s0 =	sld [smem:$0x3FAA]  }
0x30: {  	s3 =	sld [smem:$0x3FAD]  }
0x31: {  	[smem:$0x3FB6] =	sst s10  }
0x32: {  	s10 =	sld [smem:$0x3FB4];
	_ =	sdelay $0x3  }
0x33: {  	p0 =	seq.s32 s10, $0x1;
	s10 =	sld [smem:$0x3FB6];
	_ =	sdelay $0x3  }
0x34: {  	[smem:$0x3FB6] =	sst s10  }
0x35: {  	s10 =	sld [smem:$0x3FB5];
	_ =	sdelay $0x3  }
0x36: {  	p1 =	seq.s32 s10, $0x1;
	s10 =	sld [smem:$0x3FB6];
	_ =	sdelay $0x3  }
0x37: {  	[smem:$0x3FB6] =	sst s10  }
0x38: {  	s10 =	sld [smem:$0x3FB7]  }
0x39: {  	_ = 	snop;
	(pc) =	sbr.ind lr, $3  }
0x3a: {  	_ = 	snop  }
0x3b: {  	_ = 	snop  }
0x3c: {  	p2 =	seq.s32 s10, $0x1;
	s10 =	sld [smem:$0x3FB6]  }
0x3d: {  	_ =	shalt  }
0x3e: {  	_ =	shalt  }
0x3f: {  	_ =	shalt  }
0x40: {  	_ =	shalt  }
0x41: {  	_ =	shalt  }
0x42: {  	_ =	shalt  }
0x43: {  	_ =	shalt  }
0x44: {  	_ =	shalt  }
0x45: {  	_ =	shalt  }
0x46: {  	_ =	shalt  }
0x47: {  	_ =	shalt  }
0x48: {  	_ =	shalt  }
0x49: {  	_ =	shalt  }
0x4a: {  	_ =	shalt  }
0x4b: {  	_ =	shalt  }
0x4c: {  	_ =	shalt  }
0x4d: {  	_ =	shalt  }
0x4e: {  	_ =	shalt  }
0x4f: {  	_ =	shalt  }
0x50: {  	_ =	shalt  }
0x51: {  	_ =	shalt  }
0x52: {  	_ =	shalt  }
0x53: {  	_ =	shalt  }
0x54: {  	_ =	shalt  }
0x55: {  	_ =	shalt  }
0x56: {  	_ =	shalt  }
0x57: {  	_ =	shalt  }
0x58: {  	_ =	shalt  }
0x59: {  	_ =	shalt  }
0x5a: {  	_ =	shalt  }
0x5b: {  	_ =	shalt  }
0x5c: {  	_ =	shalt  }
0x5d: {  	_ =	shalt  }
0x5e: {  	_ =	shalt  }
0x5f: {  	_ =	shalt  }
0x60: {  	_ =	shalt  }
0x61: {  	_ =	shalt  }
0x62: {  	_ =	shalt  }
0x63: {  	_ =	shalt  }
0x64: {  	_ =	shalt  }
0x65: {  	_ =	shalt  }
0x66: {  	_ =	shalt  }
0x67: {  	_ =	shalt  }
0x68: {  	_ =	shalt  }
0x69: {  	_ =	shalt  }
0x6a: {  	_ =	shalt  }
0x6b: {  	_ =	shalt  }
0x6c: {  	_ =	shalt  }
0x6d: {  	_ =	shalt  }
0x6e: {  	_ =	shalt  }
0x6f: {  	_ =	shalt  }
0x70: {  	_ =	shalt  }
0x71: {  	_ =	shalt  }
0x72: {  	_ =	shalt  }
0x73: {  	_ =	shalt  }
0x74: {  	_ =	shalt  }
0x75: {  	_ =	shalt  }
0x76: {  	_ =	shalt  }
0x77: {  	_ =	shalt  }
0x78: {  	_ =	shalt  }
0x79: {  	_ =	shalt  }
0x7a: {  	_ =	shalt  }
0x7b: {  	_ =	shalt  }
0x7c: {  	_ =	shalt  }
0x7d: {  	_ =	shalt  }
0x7e: {  	_ =	shalt  }
0x7f: {  	_ =	shalt  }
0x80: {  	_ =	shalt  }
0x81: {  	_ =	shalt  }
0x82: {  	_ =	shalt  }
0x83: {  	_ =	shalt  }
0x84: {  	_ =	shalt  }
0x85: {  	_ =	shalt  }
0x86: {  	_ =	shalt  }
0x87: {  	_ =	shalt  }
.Lfunc_end0:
.L_simem_size_0:
called_computation_lowered:
.L_overlay_start_0:
0x88: {  	s2 =	sld [smem:$0x3FD9]  }
0x89: {  	s3 =	sld [smem:$0x3FFE];
	_ =	sdelay $0x1  }
0x8a: {  	s1 =	srdreg.scid  }
0x8b: {  	s0 =	sand.u32 $0x1, s1  }
0x8c: {  	s17 =	sshll.u32 s0, $0xA;
	s2 =	sadd.s32 s3, s2  }
0x8d: {  	s2 =	sadd.s32 s2, s17  }
0x8e: {  	[smem:$0x3FC2] =	sst s2  }
0x8f: {  	_ = 	snop  }
0x90: {  	s2 =	sld [smem:$0x3FD0];
	(tm) =	ssettm $0x1  }
0x91: {  	s18 =	sld [smem:$0x3FFB];
	_ =	sdelay $0x3  }
0x92: {  	_ =	strace s18  }
0x93: {  	s3 =	sld [smem:$0x3FFC];
	_ =	sdelay $0x3  }
0x94: {  	_ =	strace s3  }
0x95: {  	s3 =	sld [smem:$0x3FFD];
	_ =	sdelay $0x3  }
0x96: {  	_ =	strace s3  }
0x97: {  	_ =	strace $0x8FFFFFFF  }
0x98: {  	s19 =	sld [smem:$0x3FDB];
	_ =	sdelay $0x1  }
0x99: {  	s4 =	simm.s32 $_scs_section_size  }
0x9a: {  	s5 =	simm.s32 $_size__tile_overlayer_lowered;
	s6 =	simm.s32 $_tile_overlayer_lowered  }
0x9b: {  	s22 =	simm.s32 $0x1BFF;
	s21 =	sshll.u32 s6, $0x1;
	s3 =	sadd.s32 s4, s19  }
0x9c: {  	s7 =	simm.s32 $0x0;
	s20 =	sshll.u32 s5, $0x1;
	s5 =	sadd.s32 s21, s3  }
0x9d: {  	[timem:s7], [sflag:s22] =	dma.local [hbm:s5], s20  }
0x9e: {  	_ =	swait.ge [sflag:s22], s20  }
0x9f: {  	s4 =	ssub.s32 $0x0, s20;
	[sflag:s22] =	ssyncset.done $0x0  }
0xa0: {  	[sflag:s22] =	ssyncadd.s32 s4;
	_ =	sdelay $0x1  }
0xa1: {  	s23 =	simm.s32 $0x1B8B  }
0xa2: {  	_ =	swait.ge [sflag:s23], $0x1  }
0xa3: {  	[sflag:s23] =	ssyncset.done $0x0  }
0xa4: {  	s25 =	simm.s32 $0x1B8E;
	s24 =	sld [smem:$0x3FFE];
	[sflag:s23] =	ssyncadd.s32 $0xFFFFFFFF  }
0xa5: {  	s26 =	simm.s32 $execute0_lowered;
	[smem:$0x3FD2] =	sst s25  }
0xa6: {  	s5 =	sshll.u32 s26, $0x1;
	_ =	strace $0x80000046;
	[dreg:$0x1] =	wrdreg $0xFFFFFFFF  }
0xa7: {  	s28 =	simm.s32 $_size_execute0_lowered;
	s3 =	sadd.s32 s3, s5;
	[dreg:$0x0] =	wrdreg $0x0  }
0xa8: {  	s5 =	sshll.u32 s28, $0x1;
	[dreg:$0x2] =	wrdreg s3  }
0xa9: {  	[dreg:$0x3] =	wrdreg s5  }
0xaa: {  	[dreg:$0x4] =	wrdreg $0xC0  }
0xab: {  	_ =	task [dreg:s7], $0x5FFFF  }
0xac: {  	[dreg:$0x1] =	wrdreg $0xFFFFFFFF  }
0xad: {  	[dreg:$0x0] =	wrdreg $0x60  }
0xae: {  	[dreg:$0x2] =	wrdreg s24  }
0xaf: {  	[dreg:$0x3] =	wrdreg s2  }
0xb0: {  	[dreg:$0x4] =	wrdreg $0x9  }
0xb1: {  	_ =	task.clear_ibuf [dreg:s7], $0x5FFFF;
	_ =	strace $0x90000046  }
0xb2: {  	s29 =	simm.s32 $0x9;
	_ =	strace $0x80000048  }
0xb3: {  	_ =	swait.ge [sflag:s29], $0x1  }
0xb4: {  	[sflag:s29] =	ssyncadd.s32 $0xFFFFFFFF  }
0xb5: {  	_ =	strace $0x90000048  }
0xb6: {  	_ =	sfence  }
0xb7: {  	s30 =	sld [smem:$0x0];
	_ =	sdelay $0x2  }
0xb8: {  	s31 =	sshll.u32 s1, $0xD;
	s1 =	sshrl.u32 s1, $0x2  }
0xb9: {  	s3 =	sand.u32 $0x4000, s31;
	s1 =	sadd.s32 s1, s30  }
0xba: {  	s0 =	sor.u32 s3, s0;
	s1 =	sshll.u32 s1, $0x11  }
0xbb: {  	s0 =	sor.u32 s1, s0  }
0xbc: {  	s0 =	sadd.s32 $0x8F2B, s0  }
0xbd: {  	[sflag:s0] =	ssyncadd.remote.s32 $0x1  }
0xbe: {  	_ =	sfence.sel $0xFFFF  }
0xbf: {  	[dreg:$0x0] =	wrdreg $0xFFFFFFFF;
	(pc) =	sbr.abs _section_cstart, $3  }
0xc0: {  	[dreg:$0x1] =	wrdreg $0xFFFFFFFF  }
0xc1: {  	_ =	task.clear_ibuf [dreg:s7], $0x2FFFF;
	_ =	strace $0x9FFFFFFF  }
0xc2: {  	(tm) =	ssettm $0x7FFFFFFF  }
0xc3: {  	_ =	shalt  }
tec
execute0_lowered:
.L_overlay_start_1:
0x0: {  	(tag) =	ssettag $0x1  }
0x1: {  	s0 =	rddreg [dreg:$0x0]  }
0x2: {  	s5 =	rddreg [dreg:$0x1];
	s3 =	srdreg.scid  }
0x3: {  	s2 =	simm.s32 $0x0;
	s1 =	stileid.u32;
	s26 =	simm.s32 $0x880  }
0x4: {  	s10 =	simm.s32 $0x1880;
	s11 =	simm.s32 $0x2080;
	s12 =	simm.s32 $0x2880  }
0x5: {  	s13 =	simm.s32 $0x3080;
	s14 =	simm.s32 $0x3880;
	s15 =	simm.s32 $0x4080  }
0x6: {  	s16 =	simm.s32 $0x4880;
	s17 =	simm.s32 $0x5080;
	s18 =	simm.s32 $0x5880  }
0x7: {  	s19 =	simm.s32 $0x6080;
	s20 =	simm.s32 $0x6880;
	s21 =	simm.s32 $0x7080  }
0x8: {  	s22 =	simm.s32 $0x7880;
	s28 =	simm.s32 $0xA080;
	s29 =	simm.s32 $0xA880  }
0x9: {  	s30 =	simm.s32 $0xB080;
	s31 =	simm.s32 $0xB880;
	s3 =	sand.u32 $0x1, s3  }
0xa: {  	[smem:$0x7FF] =	sst s2;
	s4 =	sshll.u32 s1, $0x4;
	s6 =	sshll.u32 s3, $0x3  }
0xb: {  	_ =	strace $0x80000047;
	s23 =	ssub.s32 $0x2, s3;
	s3 =	sadd.s32 $0x1000, s0  }
0xc: {  	[dreg:$0x5] =	wrdreg s26;
	s26 =	simm.s32 $0x9880;
	s4 =	sor.u32 s6, s4  }
0xd: {  	s8 =	sshrl.u32 s23, $0x1;
	s7 =	sadd.s32 s4, s0;
	s9 =	smul.u32 $0x300, s4  }
0xe: {  	s6 =	ssub.s32 s23, s8;
	s4 =	sadd.s32 $0x1100, s0;
	s8 =	simm.s32 $0x80  }
0xf: {  	s23 =	simm.s32 $0x8080;
	s24 =	sadd.s32 $0x31000, s7;
	s6 =	smax.u32 s6, $0x1  }
0x10: {  	v2 =	vlaneseq.u32;
	s7 =	simm.s32 $0x2;
	[dreg:$0x3] =	wrdreg s24;
	s25 =	sadd.s32 s5, s9  }
0x11: {  	vm0 =	vmmov $0xffff;
	v1 =	vshrl.u32 v2, $0x3;
	s5 =	sadd.s32 $0x1200, s0;
	s9 =	simm.s32 $0x1080;
	s24 =	simm.s32 $0x8880  }
0x12: {  	v0 =	vand.u32 $0x7, v2;
	v2 =	vor.u32 $0x8, v2;
	v1 =	vmul.u32 $0x8, v1;
	s0 =	simm.s32 $0x1;
	[dreg:$0x4] =	wrdreg s25;
	s25 =	simm.s32 $0x9080  }
.LBB2_1:
0x13: {  	s1 =	rddreg [dreg:$0x3]  }
0x14: {  	[tilespmem:s2], [sflag:$0x2] =	stream.linear.gather [hbm4b:s1+s2], $0x40, $0x38;
	[tilespmem:$0xC080] =	vst v63  }
0x15: {  	_ =	swait.ge [sflag:s7], $0x40  }
0x16: {  	[sflag:s7] =	ssyncset.done $0x0  }
0x17: {  	[sflag:s7] =	ssyncadd.s32 $0xFFFFFFC0  }
0x18: {  	v3 =	vld [tilespmem:$0x0];
	_ =	sdelay $0x4  }
0x19: {  	v4 =	vshrl.u32 v3, $0x3  }
0x1a: {  	v4 =	vmul.u32 $0x30, v4  }
0x1b: {  	v3 =	vand.u32 $0x7, v3  }
0x1c: {  	v3 =	vor.u32 v3, v4  }
0x1d: {  	v4 =	vperm.xlane v3, v0;
	_ =	sdelay $0x1  }
0x1e: {  	v4 =	vadd.s32 v1, v4;
	_ =	sdelay $0x3  }
0x1f: {  	v3 =	vperm.xlane v3, v2  }
0x20: {  	[tilespmem:s8], [sflag:$0x1] =	stream.indirect_vreg.gather [hbm4b:s3+s2], $0x80, v4, vm0, $0xb8;
	[tilespmem:$0xC080] =	vst v63  }
0x21: {  	s1 =	rddreg [dreg:$0x5];
	v3 =	vadd.s32 v1, v3  }
0x22: {  	[tilespmem:s1], [sflag:$0x1] =	stream.indirect_vreg.gather [hbm4b:s4+s2], $0x80, v4, vm0, $0xb8;
	[tilespmem:$0xC080] =	vst v63  }
0x23: {  	_ = 	snop  }
0x24: {  	[tilespmem:s9], [sflag:$0x1] =	stream.indirect_vreg.gather [hbm4b:s5+s2], $0x80, v4, vm0, $0xb8;
	[tilespmem:$0xC080] =	vst v63  }
0x25: {  	_ = 	snop  }
0x26: {  	[tilespmem:s10], [sflag:$0x1] =	stream.indirect_vreg.gather [hbm4b:s3+s2], $0x80, v3, vm0, $0xb8;
	[tilespmem:$0xC080] =	vst v63  }
0x27: {  	_ = 	snop  }
0x28: {  	[tilespmem:s11], [sflag:$0x1] =	stream.indirect_vreg.gather [hbm4b:s4+s2], $0x80, v3, vm0, $0xb8;
	[tilespmem:$0xC080] =	vst v63  }
0x29: {  	_ = 	snop  }
0x2a: {  	[tilespmem:s12], [sflag:$0x1] =	stream.indirect_vreg.gather [hbm4b:s5+s2], $0x80, v3, vm0, $0xb8;
	[tilespmem:$0xC080] =	vst v63  }
0x2b: {  	v3 =	vld [tilespmem:$0x10];
	_ =	sdelay $0x4  }
0x2c: {  	v61 =	vshrl.u32 v3, $0x3  }
0x2d: {  	v4 =	vmul.u32 $0x30, v61  }
0x2e: {  	v3 =	vand.u32 $0x7, v3  }
0x2f: {  	v3 =	vor.u32 v3, v4  }
0x30: {  	v4 =	vperm.xlane v3, v0;
	_ =	sdelay $0x1  }
0x31: {  	v4 =	vadd.s32 v1, v4;
	_ =	sdelay $0x3  }
0x32: {  	v3 =	vperm.xlane v3, v2  }
0x33: {  	[tilespmem:s13], [sflag:$0x1] =	stream.indirect_vreg.gather [hbm4b:s3+s2], $0x80, v4, vm0, $0xb8;
	[tilespmem:$0xC080] =	vst v63  }
0x34: {  	v3 =	vadd.s32 v1, v3  }
0x35: {  	[tilespmem:s14], [sflag:$0x1] =	stream.indirect_vreg.gather [hbm4b:s4+s2], $0x80, v4, vm0, $0xb8;
	[tilespmem:$0xC080] =	vst v63  }
0x36: {  	_ = 	snop  }
0x37: {  	[tilespmem:s15], [sflag:$0x1] =	stream.indirect_vreg.gather [hbm4b:s5+s2], $0x80, v4, vm0, $0xb8;
	[tilespmem:$0xC080] =	vst v63  }
0x38: {  	_ = 	snop  }
0x39: {  	[tilespmem:s16], [sflag:$0x1] =	stream.indirect_vreg.gather [hbm4b:s3+s2], $0x80, v3, vm0, $0xb8;
	[tilespmem:$0xC080] =	vst v63  }
0x3a: {  	_ = 	snop  }
0x3b: {  	[tilespmem:s17], [sflag:$0x1] =	stream.indirect_vreg.gather [hbm4b:s4+s2], $0x80, v3, vm0, $0xb8;
	[tilespmem:$0xC080] =	vst v63  }
0x3c: {  	_ = 	snop  }
0x3d: {  	[tilespmem:s18], [sflag:$0x1] =	stream.indirect_vreg.gather [hbm4b:s5+s2], $0x80, v3, vm0, $0xb8;
	[tilespmem:$0xC080] =	vst v63  }
0x3e: {  	v3 =	vld [tilespmem:$0x20];
	_ =	sdelay $0x4  }
0x3f: {  	v62 =	vshrl.u32 v3, $0x3  }
0x40: {  	v4 =	vmul.u32 $0x30, v62  }
0x41: {  	v3 =	vand.u32 $0x7, v3  }
0x42: {  	v3 =	vor.u32 v3, v4  }
0x43: {  	v4 =	vperm.xlane v3, v0;
	_ =	sdelay $0x1  }
0x44: {  	v4 =	vadd.s32 v1, v4;
	_ =	sdelay $0x3  }
0x45: {  	v3 =	vperm.xlane v3, v2  }
0x46: {  	[tilespmem:s19], [sflag:$0x1] =	stream.indirect_vreg.gather [hbm4b:s3+s2], $0x80, v4, vm0, $0xb8;
	[tilespmem:$0xC080] =	vst v63  }
0x47: {  	v3 =	vadd.s32 v1, v3  }
0x48: {  	[tilespmem:s20], [sflag:$0x1] =	stream.indirect_vreg.gather [hbm4b:s4+s2], $0x80, v4, vm0, $0xb8;
	[tilespmem:$0xC080] =	vst v63  }
0x49: {  	_ = 	snop  }
0x4a: {  	[tilespmem:s21], [sflag:$0x1] =	stream.indirect_vreg.gather [hbm4b:s5+s2], $0x80, v4, vm0, $0xb8;
	[tilespmem:$0xC080] =	vst v63  }
0x4b: {  	_ = 	snop  }
0x4c: {  	[tilespmem:s22], [sflag:$0x1] =	stream.indirect_vreg.gather [hbm4b:s3+s2], $0x80, v3, vm0, $0xb8;
	[tilespmem:$0xC080] =	vst v63  }
0x4d: {  	_ = 	snop  }
0x4e: {  	[tilespmem:s23], [sflag:$0x1] =	stream.indirect_vreg.gather [hbm4b:s4+s2], $0x80, v3, vm0, $0xb8;
	[tilespmem:$0xC080] =	vst v63  }
0x4f: {  	_ = 	snop  }
0x50: {  	[tilespmem:s24], [sflag:$0x1] =	stream.indirect_vreg.gather [hbm4b:s5+s2], $0x80, v3, vm0, $0xb8;
	[tilespmem:$0xC080] =	vst v63  }
0x51: {  	v3 =	vld [tilespmem:$0x30];
	_ =	sdelay $0x4  }
0x52: {  	v63 =	vshrl.u32 v3, $0x3  }
0x53: {  	v4 =	vmul.u32 $0x30, v63  }
0x54: {  	v3 =	vand.u32 $0x7, v3  }
0x55: {  	v3 =	vor.u32 v3, v4  }
0x56: {  	v4 =	vperm.xlane v3, v0;
	_ =	sdelay $0x1  }
0x57: {  	v4 =	vadd.s32 v1, v4;
	_ =	sdelay $0x3  }
0x58: {  	v3 =	vperm.xlane v3, v2  }
0x59: {  	[tilespmem:s25], [sflag:$0x1] =	stream.indirect_vreg.gather [hbm4b:s3+s2], $0x80, v4, vm0, $0xb8;
	[tilespmem:$0xC080] =	vst v63  }
0x5a: {  	v3 =	vadd.s32 v1, v3  }
0x5b: {  	[tilespmem:s26], [sflag:$0x1] =	stream.indirect_vreg.gather [hbm4b:s4+s2], $0x80, v4, vm0, $0xb8;
	[tilespmem:$0xC080] =	vst v63  }
0x5c: {  	_ = 	snop  }
0x5d: {  	[tilespmem:s28], [sflag:$0x1] =	stream.indirect_vreg.gather [hbm4b:s5+s2], $0x80, v4, vm0, $0xb8;
	[tilespmem:$0xC080] =	vst v63  }
0x5e: {  	_ = 	snop  }
0x5f: {  	[tilespmem:s29], [sflag:$0x1] =	stream.indirect_vreg.gather [hbm4b:s3+s2], $0x80, v3, vm0, $0xb8;
	[tilespmem:$0xC080] =	vst v63  }
0x60: {  	_ = 	snop  }
0x61: {  	[tilespmem:s30], [sflag:$0x1] =	stream.indirect_vreg.gather [hbm4b:s4+s2], $0x80, v3, vm0, $0xb8;
	[tilespmem:$0xC080] =	vst v63  }
0x62: {  	_ = 	snop  }
0x63: {  	[tilespmem:s31], [sflag:$0x1] =	stream.indirect_vreg.gather [hbm4b:s5+s2], $0x80, v3, vm0, $0xb8;
	[tilespmem:$0xC080] =	vst v63  }
0x64: {  	_ =	swait.ge [sflag:s0], $0xC000  }
0x65: {  	p0 =	sne.s32 s6, $0x1;
	[sflag:s0] =	ssyncset.done $0x0  }
.Ltmp0:
0x66: {  	s1 =	rddreg [dreg:$0x4];
	[sflag:s0] =	ssyncadd.s32 $0xFFFF4000;
	(pc) =	sbr.rel @p0 .LBB2_1-.Ltmp0, $4  }
0x67: {  	[hbm4b:s1+s2] =	stream.linear.scatter [tilespmem:s8], [sflag:$0x2], $0xC000, $0x38;
	[tilespmem:$0xC080] =	vst v63  }
0x68: {  	_ =	swait.ge [sflag:s7], $0xC000  }
0x69: {  	[sflag:s7] =	ssyncset.done $0x0  }
0x6a: {  	s6 =	sadd.s32 $0xFFFFFFFF, s6;
	[sflag:s7] =	ssyncadd.s32 $0xFFFF4000  }
0x6b: {  	_ =	sfence.sel $0x180000  }
0x6c: {  	[bflag:$0x0] =	sbarrier.arrive $0xFFFF  }
0x6d: {  	_ =	strace $0x90000047  }
0x6e: {  	s0 =	stileid.u32;
	[bflag:$0x2] =	sbarrier.arrive $0xFFFF  }
0x6f: {  	p0 =	sne.s32 s0, $0x0;
	s0 =	rddreg [dreg:$0x2]  }
0x70: {  	s0 =	sadd.s32 @!p0 $0x100000, s0  }
0x71: {  	[sflag:s0] =	ssyncadd.tile.s32 @!p0 $0x1;
	_ =	shalt  }
.Lfunc_end2:
_tile_overlayer_lowered:
.L_overlay_start_2:
0x72: {  	(tag) =	ssettag $0x2  }
0x73: {  	s0 =	rddreg [dreg:$0x0];
	s2 =	stileid.u32  }
0x74: {  	s1 =	rddreg [dreg:$0x1];
	p0 =	sne.s32 s2, $0x0  }
0x75: {  	s3 =	rddreg [dreg:$0x2];
	[bflag:$0x3] =	sbarrier.arrive $0xFFFF;
	s2 =	simm.s32 @!p0 $0x1C02  }
0x76: {  	[timem:s3], [sflag:s2] =	dma.local @!p0 [hbm:s0], s1  }
0x77: {  	s0 =	simm.s32 @!p0 $0x2  }
0x78: {  	_ =	swait.ge @!p0 [sflag:s0], s1  }
0x79: {  	s1 =	ssub.s32 @!p0 $0x0, s1;
	[sflag:s0] =	ssyncset.done @!p0 $0x0  }
0x7a: {  	[sflag:s0] =	ssyncadd.s32 @!p0 s1  }
0x7b: {  	[bflag:$0x3] =	sbarrier.arrive $0xFFFF  }
0x7c: {  	_ =	shalt  }

</sc_bundles>
